<compile_context>
chip_gen: v7x
topology: tpu7x:2x2x1
jax: 0.10.2.dev20260603
libtpu: 0.0.44.dev20260713+nightly
codegen_flags: <defaults>
</compile_context>

<pallas_src>
import functools

import jax
import jax.numpy as jnp
from jax import lax
from jax.experimental import pallas as pl
from jax.experimental.pallas import tpu as pltpu
from jax.experimental.pallas import tpu_sc as plsc

M = 4096
N = 16384
B = 64

MB = 1024
NCI = 1024

SC_CORES = 2
SC_SUBCORES = 16
NW = SC_CORES * SC_SUBCORES
BPW = M // NW


def _argmin_body(aT_ref, b_ref, idx_ref):
    a0 = aT_ref[:, 0:1]
    a1 = aT_ref[:, 1:2]
    diag1 = a0 * a0 + a1 * a1
    aTb2 = (aT_ref[:, :] * 2.0).astype(jnp.bfloat16)
    lane = lax.broadcasted_iota(jnp.int32, (1, 128), 1)

    def combine(left, right):
        lv, li = left
        nv, ni = right
        keep = lv <= nv
        return jnp.where(keep, lv, nv), jnp.where(keep, li, ni)

    run = None
    for c in range(N // NCI):
        bc = b_ref[:, c * NCI:(c + 1) * NCI]
        b0 = bc[0:1, :]
        b1 = bc[1:2, :]
        diag2 = b0 * b0 + b1 * b1
        r2 = lax.dot_general(aTb2, bc.astype(jnp.bfloat16),
                             (((1,), (0,)), ((), ())),
                             preferred_element_type=jnp.float32)
        s = (diag1 + diag2) - r2
        u = lax.bitcast_convert_type(s, jnp.int32) ^ jnp.int32(-(2**31))
        pairs = [(u[:, k * 128:(k + 1) * 128],
                  jnp.broadcast_to(lane + (c * NCI + k * 128), (MB, 128)))
                 for k in range(NCI // 128)]
        while len(pairs) > 1:
            pairs = [combine(pairs[i], pairs[i + 1])
                     for i in range(0, len(pairs), 2)]
        run = pairs[0] if run is None else combine(run, pairs[0])

    rv, ri = run
    cmin = jnp.min(rv, axis=1, keepdims=True)
    idx_ref[:, :] = jnp.min(
        jnp.where(rv == cmin, ri, jnp.int32(2**30)),
        axis=1, keepdims=True)


def _nearest_idx(aT, b):
    m = aT.shape[0]
    return pl.pallas_call(
        _argmin_body,
        grid=(m // MB,),
        in_specs=[
            pl.BlockSpec((MB, 2), lambda i: (i, 0)),
            pl.BlockSpec((2, N), lambda i: (0, 0)),
        ],
        out_specs=pl.BlockSpec((MB, 1), lambda i: (i, 0)),
        out_shape=jax.ShapeDtypeStruct((m, 1), jnp.int32),
    )(aT, b)


GF = B // NW


def _make_gather_body(m):
    def _gather_body(vals_hbm, idx_hbm, out_hbm, idx_v, out_v):
        wid = lax.axis_index("s") * SC_CORES + lax.axis_index("c")
        pltpu.sync_copy(idx_hbm, idx_v)
        for f in range(GF):
            row = wid * GF + f
            pltpu.sync_copy(vals_hbm.at[pl.ds(row * N, N)].at[idx_v], out_v)
            pltpu.sync_copy(out_v, out_hbm.at[pl.ds(row * m, m)])
    return _gather_body


@functools.cache
def _sc_gather(m):
    return pl.kernel(
        _make_gather_body(m),
        out_type=jax.ShapeDtypeStruct((B * m,), jnp.float32),
        mesh=plsc.VectorSubcoreMesh(
            core_axis_name="c", subcore_axis_name="s",
            num_cores=SC_CORES, num_subcores=SC_SUBCORES),
        scratch_types=[
            pltpu.VMEM((m,), jnp.int32),
            pltpu.VMEM((m,), jnp.float32),
        ],
    )


def kernel(interp_points, values_points, values):
    aT = interp_points.T
    vflat = values.reshape(B * N)
    h = M // 2
    idx1 = _nearest_idx(aT[:h], values_points)
    g1 = _sc_gather(h)(vflat, idx1.reshape(h))
    idx2 = _nearest_idx(aT[h:], values_points)
    g2 = _sc_gather(h)(vflat, idx2.reshape(h))
    out = jnp.concatenate([g1.reshape(B, h), g2.reshape(B, h)], axis=1)
    return out[:, :, None]

# --- scband reference (transcript-rebuilt; emitter-appended) ---
"""Pipeline reference for scband-interpolator-21534966022161 (READ-ONLY COPY).

The authoritative reference and input builder live on the scoring server;
editing this copy changes nothing except your own understanding.
"""

import jax, jax.numpy as jnp
import numpy as np

M = 4096   # number of interpolation (query) points
N = 16384  # number of value (grid) points
B = 64     # batch of fields to interpolate


def setup_inputs(seed: int = 0) -> dict:
    key = jax.random.key(seed)
    k1, k2, k3 = jax.random.split(key, 3)
    interp_points = jax.random.normal(k1, (2, M), dtype=jnp.float32)
    values_points = jax.random.normal(k2, (2, N), dtype=jnp.float32)
    values = jax.random.normal(k3, (B, N), dtype=jnp.float32)
    return {"interp_points": interp_points, "values_points": values_points, "values": values}


def reference(interp_points, values_points, values):
    a = interp_points  # [2, M]
    b = values_points  # [2, N]
    # get_distances_matrix: mm(a.T, b); diag of Gram matrices == per-column squared norms
    r = a.T @ b                                  # [M, N]
    diag1 = jnp.sum(a * a, axis=0)[:, None]      # == diag(a.T @ a), broadcast over N
    diag2 = jnp.sum(b * b, axis=0)[None, :]      # == diag(b.T @ b), broadcast over M
    D = jnp.sqrt(diag1 + diag2 - 2.0 * r)        # [M, N] Euclidean distances
    # get_nearest_neighbour: topk(D, 1, largest=False)
    neg_vals, idx = jax.lax.top_k(-D, 1)         # idx: [M, 1] nearest grid point per station
    # forward: values[..., nearest_neighbour]
    out = jnp.take(values, idx, axis=-1)         # [B, M, 1]
    return out

if __name__ == "__main__":
    import jax
    _d = setup_inputs()
    print(jax.jit(kernel)(*tuple(_d.values())))

</pallas_src>

<mosaic_0001>
#map = affine_map<(d0, d1) -> (0)>
module attributes {stable_mosaic.version = 14 : i64} {
  func.func @_gather_body(%arg0: i32, %arg1: i32, %arg2: memref<1048576xf32, #tpu.memory_space<hbm>>, %arg3: memref<2048xi32, #tpu.memory_space<hbm>>, %arg4: memref<131072xf32, #tpu.memory_space<hbm>>, %arg5: memref<2048xi32, #tpu.memory_space<vmem>>, %arg6: memref<2048xf32, #tpu.memory_space<vmem>>) attributes {dimension_semantics = [#tpu.dimension_semantics<core_parallel>, #tpu.dimension_semantics<subcore_parallel>], iteration_bounds = array<i64: 2, 16>, scalar_prefetch = 0 : i64, scratch_operands = 2 : i64, tpu.core_type = #tpu.core_type<sc_vector_subcore>, window_params = [{transform_indices = #map}, {transform_indices = #map}, {transform_indices = #map}]} {
    %mul3A = arith.constant 2 : i32
    %mul3A_0 = arith.muli %arg1, %mul3A : i32
    %add3A = arith.addi %mul3A_0, %arg0 : i32
    "tpu.region"() ({
      %run_scoped3A = tpu.sem_alloc : memref<!tpu.dma_semaphore, #tpu.memory_space<semaphore_mem>>
      tpu.enqueue_dma source(%arg3 : memref<2048xi32, #tpu.memory_space<hbm>>) target(%arg5 : memref<2048xi32, #tpu.memory_space<vmem>>) target_semaphore(%run_scoped3A : memref<!tpu.dma_semaphore, #tpu.memory_space<semaphore_mem>>)
      tpu.wait_dma2 semaphore(%run_scoped3A : memref<!tpu.dma_semaphore, #tpu.memory_space<semaphore_mem>>) src(%arg3 : memref<2048xi32, #tpu.memory_space<hbm>>) dst(%arg5 : memref<2048xi32, #tpu.memory_space<vmem>>)
      tpu.yield
    }) : () -> ()
    %mul3A_1 = arith.constant 2 : i32
    %mul3A_2 = arith.muli %add3A, %mul3A_1 : i32
    %add3A_3 = arith.constant 0 : i32
    %add3A_4 = arith.addi %mul3A_2, %add3A_3 : i32
    %mul3A_5 = arith.constant 16384 : i32
    %mul3A_6 = arith.muli %add3A_4, %mul3A_5 : i32
    "tpu.region"() ({
      %run_scoped3A = tpu.sem_alloc : memref<!tpu.dma_semaphore, #tpu.memory_space<semaphore_mem>>
      %dma_start3A = tpu.memref_slice %arg2[%mul3A_6] : memref<1048576xf32, #tpu.memory_space<hbm>> -> memref<16384xf32, #tpu.memory_space<hbm>>
      %dma_start3A_17 = arith.constant 0 : i32
      %dma_start3A_18 = tpu.memref_slice %dma_start3A[%dma_start3A_17] : memref<16384xf32, #tpu.memory_space<hbm>> -> memref<16384xf32, #tpu.memory_space<hbm>>
      tpu.enqueue_indirect_dma source(%dma_start3A_18 : memref<16384xf32, #tpu.memory_space<hbm>>) target(%arg6 : memref<2048xf32, #tpu.memory_space<vmem>>) offsets(%arg5 : memref<2048xi32, #tpu.memory_space<vmem>>) semaphore(%run_scoped3A : memref<!tpu.dma_semaphore, #tpu.memory_space<semaphore_mem>>)
      %dma_wait3A = tpu.memref_slice %arg2[%mul3A_6] : memref<1048576xf32, #tpu.memory_space<hbm>> -> memref<16384xf32, #tpu.memory_space<hbm>>
      %dma_wait3A_19 = arith.constant 0 : i32
      %dma_wait3A_20 = tpu.memref_slice %dma_wait3A[%dma_wait3A_19] : memref<16384xf32, #tpu.memory_space<hbm>> -> memref<16384xf32, #tpu.memory_space<hbm>>
      tpu.wait_indirect_dma semaphore(%run_scoped3A : memref<!tpu.dma_semaphore, #tpu.memory_space<semaphore_mem>>) src(%dma_wait3A_20 : memref<16384xf32, #tpu.memory_space<hbm>>) dst(%arg6 : memref<2048xf32, #tpu.memory_space<vmem>>)
      tpu.yield
    }) : () -> ()
    %mul3A_7 = arith.constant 2048 : i32
    %mul3A_8 = arith.muli %add3A_4, %mul3A_7 : i32
    "tpu.region"() ({
      %run_scoped3A = tpu.sem_alloc : memref<!tpu.dma_semaphore, #tpu.memory_space<semaphore_mem>>
      %dma_start3A = tpu.memref_slice %arg4[%mul3A_8] : memref<131072xf32, #tpu.memory_space<hbm>> -> memref<2048xf32, #tpu.memory_space<hbm>>
      %dma_start3A_17 = tpu.memref_slice %arg4[%mul3A_8] : memref<131072xf32, #tpu.memory_space<hbm>> -> memref<2048xf32, #tpu.memory_space<hbm>>
      tpu.enqueue_dma source(%arg6 : memref<2048xf32, #tpu.memory_space<vmem>>) target(%dma_start3A_17 : memref<2048xf32, #tpu.memory_space<hbm>>) target_semaphore(%run_scoped3A : memref<!tpu.dma_semaphore, #tpu.memory_space<semaphore_mem>>)
      %dma_wait3A = tpu.memref_slice %arg4[%mul3A_8] : memref<131072xf32, #tpu.memory_space<hbm>> -> memref<2048xf32, #tpu.memory_space<hbm>>
      %dma_wait3A_18 = tpu.memref_slice %arg4[%mul3A_8] : memref<131072xf32, #tpu.memory_space<hbm>> -> memref<2048xf32, #tpu.memory_space<hbm>>
      tpu.wait_dma2 semaphore(%run_scoped3A : memref<!tpu.dma_semaphore, #tpu.memory_space<semaphore_mem>>) src(%arg6 : memref<2048xf32, #tpu.memory_space<vmem>>) dst(%dma_wait3A_18 : memref<2048xf32, #tpu.memory_space<hbm>>)
      tpu.yield
    }) : () -> ()
    %mul3A_9 = arith.constant 2 : i32
    %mul3A_10 = arith.muli %add3A, %mul3A_9 : i32
    %add3A_11 = arith.constant 1 : i32
    %add3A_12 = arith.addi %mul3A_10, %add3A_11 : i32
    %mul3A_13 = arith.constant 16384 : i32
    %mul3A_14 = arith.muli %add3A_12, %mul3A_13 : i32
    "tpu.region"() ({
      %run_scoped3A = tpu.sem_alloc : memref<!tpu.dma_semaphore, #tpu.memory_space<semaphore_mem>>
      %dma_start3A = tpu.memref_slice %arg2[%mul3A_14] : memref<1048576xf32, #tpu.memory_space<hbm>> -> memref<16384xf32, #tpu.memory_space<hbm>>
      %dma_start3A_17 = arith.constant 0 : i32
      %dma_start3A_18 = tpu.memref_slice %dma_start3A[%dma_start3A_17] : memref<16384xf32, #tpu.memory_space<hbm>> -> memref<16384xf32, #tpu.memory_space<hbm>>
      tpu.enqueue_indirect_dma source(%dma_start3A_18 : memref<16384xf32, #tpu.memory_space<hbm>>) target(%arg6 : memref<2048xf32, #tpu.memory_space<vmem>>) offsets(%arg5 : memref<2048xi32, #tpu.memory_space<vmem>>) semaphore(%run_scoped3A : memref<!tpu.dma_semaphore, #tpu.memory_space<semaphore_mem>>)
      %dma_wait3A = tpu.memref_slice %arg2[%mul3A_14] : memref<1048576xf32, #tpu.memory_space<hbm>> -> memref<16384xf32, #tpu.memory_space<hbm>>
      %dma_wait3A_19 = arith.constant 0 : i32
      %dma_wait3A_20 = tpu.memref_slice %dma_wait3A[%dma_wait3A_19] : memref<16384xf32, #tpu.memory_space<hbm>> -> memref<16384xf32, #tpu.memory_space<hbm>>
      tpu.wait_indirect_dma semaphore(%run_scoped3A : memref<!tpu.dma_semaphore, #tpu.memory_space<semaphore_mem>>) src(%dma_wait3A_20 : memref<16384xf32, #tpu.memory_space<hbm>>) dst(%arg6 : memref<2048xf32, #tpu.memory_space<vmem>>)
      tpu.yield
    }) : () -> ()
    %mul3A_15 = arith.constant 2048 : i32
    %mul3A_16 = arith.muli %add3A_12, %mul3A_15 : i32
    "tpu.region"() ({
      %run_scoped3A = tpu.sem_alloc : memref<!tpu.dma_semaphore, #tpu.memory_space<semaphore_mem>>
      %dma_start3A = tpu.memref_slice %arg4[%mul3A_16] : memref<131072xf32, #tpu.memory_space<hbm>> -> memref<2048xf32, #tpu.memory_space<hbm>>
      %dma_start3A_17 = tpu.memref_slice %arg4[%mul3A_16] : memref<131072xf32, #tpu.memory_space<hbm>> -> memref<2048xf32, #tpu.memory_space<hbm>>
      tpu.enqueue_dma source(%arg6 : memref<2048xf32, #tpu.memory_space<vmem>>) target(%dma_start3A_17 : memref<2048xf32, #tpu.memory_space<hbm>>) target_semaphore(%run_scoped3A : memref<!tpu.dma_semaphore, #tpu.memory_space<semaphore_mem>>)
      %dma_wait3A = tpu.memref_slice %arg4[%mul3A_16] : memref<131072xf32, #tpu.memory_space<hbm>> -> memref<2048xf32, #tpu.memory_space<hbm>>
      %dma_wait3A_18 = tpu.memref_slice %arg4[%mul3A_16] : memref<131072xf32, #tpu.memory_space<hbm>> -> memref<2048xf32, #tpu.memory_space<hbm>>
      tpu.wait_dma2 semaphore(%run_scoped3A : memref<!tpu.dma_semaphore, #tpu.memory_space<semaphore_mem>>) src(%arg6 : memref<2048xf32, #tpu.memory_space<vmem>>) dst(%dma_wait3A_18 : memref<2048xf32, #tpu.memory_space<hbm>>)
      tpu.yield
    }) : () -> ()
    return
  }
}

#map = affine_map<(d0, d1) -> (0)>
module attributes {stable_mosaic.version = 14 : i64} {
  func.func @_gather_body(%arg0: i32, %arg1: i32, %arg2: memref<1048576xf32, #tpu.memory_space<hbm>>, %arg3: memref<2048xi32, #tpu.memory_space<hbm>>, %arg4: memref<131072xf32, #tpu.memory_space<hbm>>, %arg5: memref<2048xi32, #tpu.memory_space<vmem>>, %arg6: memref<2048xf32, #tpu.memory_space<vmem>>) attributes {dimension_semantics = [#tpu.dimension_semantics<core_parallel>, #tpu.dimension_semantics<subcore_parallel>], iteration_bounds = array<i64: 2, 16>, scalar_prefetch = 0 : i64, scratch_operands = 2 : i64, tpu.core_type = #tpu.core_type<sc_vector_subcore>, window_params = [{transform_indices = #map}, {transform_indices = #map}, {transform_indices = #map}]} {
    %mul3A = arith.constant 2 : i32
    %mul3A_0 = arith.muli %arg1, %mul3A : i32
    %add3A = arith.addi %mul3A_0, %arg0 : i32
    "tpu.region"() ({
      %run_scoped3A = tpu.sem_alloc : memref<!tpu.dma_semaphore, #tpu.memory_space<semaphore_mem>>
      tpu.enqueue_dma source(%arg3 : memref<2048xi32, #tpu.memory_space<hbm>>) target(%arg5 : memref<2048xi32, #tpu.memory_space<vmem>>) target_semaphore(%run_scoped3A : memref<!tpu.dma_semaphore, #tpu.memory_space<semaphore_mem>>)
      tpu.wait_dma2 semaphore(%run_scoped3A : memref<!tpu.dma_semaphore, #tpu.memory_space<semaphore_mem>>) src(%arg3 : memref<2048xi32, #tpu.memory_space<hbm>>) dst(%arg5 : memref<2048xi32, #tpu.memory_space<vmem>>)
      tpu.yield
    }) : () -> ()
    %mul3A_1 = arith.constant 2 : i32
    %mul3A_2 = arith.muli %add3A, %mul3A_1 : i32
    %add3A_3 = arith.constant 0 : i32
    %add3A_4 = arith.addi %mul3A_2, %add3A_3 : i32
    %mul3A_5 = arith.constant 16384 : i32
    %mul3A_6 = arith.muli %add3A_4, %mul3A_5 : i32
    "tpu.region"() ({
      %run_scoped3A = tpu.sem_alloc : memref<!tpu.dma_semaphore, #tpu.memory_space<semaphore_mem>>
      %dma_start3A = tpu.memref_slice %arg2[%mul3A_6] : memref<1048576xf32, #tpu.memory_space<hbm>> -> memref<16384xf32, #tpu.memory_space<hbm>>
      %dma_start3A_17 = arith.constant 0 : i32
      %dma_start3A_18 = tpu.memref_slice %dma_start3A[%dma_start3A_17] : memref<16384xf32, #tpu.memory_space<hbm>> -> memref<16384xf32, #tpu.memory_space<hbm>>
      tpu.enqueue_indirect_dma source(%dma_start3A_18 : memref<16384xf32, #tpu.memory_space<hbm>>) target(%arg6 : memref<2048xf32, #tpu.memory_space<vmem>>) offsets(%arg5 : memref<2048xi32, #tpu.memory_space<vmem>>) semaphore(%run_scoped3A : memref<!tpu.dma_semaphore, #tpu.memory_space<semaphore_mem>>)
      %dma_wait3A = tpu.memref_slice %arg2[%mul3A_6] : memref<1048576xf32, #tpu.memory_space<hbm>> -> memref<16384xf32, #tpu.memory_space<hbm>>
      %dma_wait3A_19 = arith.constant 0 : i32
      %dma_wait3A_20 = tpu.memref_slice %dma_wait3A[%dma_wait3A_19] : memref<16384xf32, #tpu.memory_space<hbm>> -> memref<16384xf32, #tpu.memory_space<hbm>>
      tpu.wait_indirect_dma semaphore(%run_scoped3A : memref<!tpu.dma_semaphore, #tpu.memory_space<semaphore_mem>>) src(%dma_wait3A_20 : memref<16384xf32, #tpu.memory_space<hbm>>) dst(%arg6 : memref<2048xf32, #tpu.memory_space<vmem>>)
      tpu.yield
    }) : () -> ()
    %mul3A_7 = arith.constant 2048 : i32
    %mul3A_8 = arith.muli %add3A_4, %mul3A_7 : i32
    "tpu.region"() ({
      %run_scoped3A = tpu.sem_alloc : memref<!tpu.dma_semaphore, #tpu.memory_space<semaphore_mem>>
      %dma_start3A = tpu.memref_slice %arg4[%mul3A_8] : memref<131072xf32, #tpu.memory_space<hbm>> -> memref<2048xf32, #tpu.memory_space<hbm>>
      %dma_start3A_17 = tpu.memref_slice %arg4[%mul3A_8] : memref<131072xf32, #tpu.memory_space<hbm>> -> memref<2048xf32, #tpu.memory_space<hbm>>
      tpu.enqueue_dma source(%arg6 : memref<2048xf32, #tpu.memory_space<vmem>>) target(%dma_start3A_17 : memref<2048xf32, #tpu.memory_space<hbm>>) target_semaphore(%run_scoped3A : memref<!tpu.dma_semaphore, #tpu.memory_space<semaphore_mem>>)
      %dma_wait3A = tpu.memref_slice %arg4[%mul3A_8] : memref<131072xf32, #tpu.memory_space<hbm>> -> memref<2048xf32, #tpu.memory_space<hbm>>
      %dma_wait3A_18 = tpu.memref_slice %arg4[%mul3A_8] : memref<131072xf32, #tpu.memory_space<hbm>> -> memref<2048xf32, #tpu.memory_space<hbm>>
      tpu.wait_dma2 semaphore(%run_scoped3A : memref<!tpu.dma_semaphore, #tpu.memory_space<semaphore_mem>>) src(%arg6 : memref<2048xf32, #tpu.memory_space<vmem>>) dst(%dma_wait3A_18 : memref<2048xf32, #tpu.memory_space<hbm>>)
      tpu.yield
    }) : () -> ()
    %mul3A_9 = arith.constant 2 : i32
    %mul3A_10 = arith.muli %add3A, %mul3A_9 : i32
    %add3A_11 = arith.constant 1 : i32
    %add3A_12 = arith.addi %mul3A_10, %add3A_11 : i32
    %mul3A_13 = arith.constant 16384 : i32
    %mul3A_14 = arith.muli %add3A_12, %mul3A_13 : i32
    "tpu.region"() ({
      %run_scoped3A = tpu.sem_alloc : memref<!tpu.dma_semaphore, #tpu.memory_space<semaphore_mem>>
      %dma_start3A = tpu.memref_slice %arg2[%mul3A_14] : memref<1048576xf32, #tpu.memory_space<hbm>> -> memref<16384xf32, #tpu.memory_space<hbm>>
      %dma_start3A_17 = arith.constant 0 : i32
      %dma_start3A_18 = tpu.memref_slice %dma_start3A[%dma_start3A_17] : memref<16384xf32, #tpu.memory_space<hbm>> -> memref<16384xf32, #tpu.memory_space<hbm>>
      tpu.enqueue_indirect_dma source(%dma_start3A_18 : memref<16384xf32, #tpu.memory_space<hbm>>) target(%arg6 : memref<2048xf32, #tpu.memory_space<vmem>>) offsets(%arg5 : memref<2048xi32, #tpu.memory_space<vmem>>) semaphore(%run_scoped3A : memref<!tpu.dma_semaphore, #tpu.memory_space<semaphore_mem>>)
      %dma_wait3A = tpu.memref_slice %arg2[%mul3A_14] : memref<1048576xf32, #tpu.memory_space<hbm>> -> memref<16384xf32, #tpu.memory_space<hbm>>
      %dma_wait3A_19 = arith.constant 0 : i32
      %dma_wait3A_20 = tpu.memref_slice %dma_wait3A[%dma_wait3A_19] : memref<16384xf32, #tpu.memory_space<hbm>> -> memref<16384xf32, #tpu.memory_space<hbm>>
      tpu.wait_indirect_dma semaphore(%run_scoped3A : memref<!tpu.dma_semaphore, #tpu.memory_space<semaphore_mem>>) src(%dma_wait3A_20 : memref<16384xf32, #tpu.memory_space<hbm>>) dst(%arg6 : memref<2048xf32, #tpu.memory_space<vmem>>)
      tpu.yield
    }) : () -> ()
    %mul3A_15 = arith.constant 2048 : i32
    %mul3A_16 = arith.muli %add3A_12, %mul3A_15 : i32
    "tpu.region"() ({
      %run_scoped3A = tpu.sem_alloc : memref<!tpu.dma_semaphore, #tpu.memory_space<semaphore_mem>>
      %dma_start3A = tpu.memref_slice %arg4[%mul3A_16] : memref<131072xf32, #tpu.memory_space<hbm>> -> memref<2048xf32, #tpu.memory_space<hbm>>
      %dma_start3A_17 = tpu.memref_slice %arg4[%mul3A_16] : memref<131072xf32, #tpu.memory_space<hbm>> -> memref<2048xf32, #tpu.memory_space<hbm>>
      tpu.enqueue_dma source(%arg6 : memref<2048xf32, #tpu.memory_space<vmem>>) target(%dma_start3A_17 : memref<2048xf32, #tpu.memory_space<hbm>>) target_semaphore(%run_scoped3A : memref<!tpu.dma_semaphore, #tpu.memory_space<semaphore_mem>>)
      %dma_wait3A = tpu.memref_slice %arg4[%mul3A_16] : memref<131072xf32, #tpu.memory_space<hbm>> -> memref<2048xf32, #tpu.memory_space<hbm>>
      %dma_wait3A_18 = tpu.memref_slice %arg4[%mul3A_16] : memref<131072xf32, #tpu.memory_space<hbm>> -> memref<2048xf32, #tpu.memory_space<hbm>>
      tpu.wait_dma2 semaphore(%run_scoped3A : memref<!tpu.dma_semaphore, #tpu.memory_space<semaphore_mem>>) src(%arg6 : memref<2048xf32, #tpu.memory_space<vmem>>) dst(%dma_wait3A_18 : memref<2048xf32, #tpu.memory_space<hbm>>)
      tpu.yield
    }) : () -> ()
    return
  }
}

module attributes {stable_mosaic.version = 14 : i64} {
  func.func @_argmin_body(%arg0: i32, %arg1: memref<1024x2xf32, #tpu.memory_space<vmem>>, %arg2: memref<2x16384xf32, #tpu.memory_space<vmem>>, %arg3: memref<1024x1xi32, #tpu.memory_space<vmem>>) attributes {dimension_semantics = [#tpu.dimension_semantics<arbitrary>], iteration_bounds = array<i64: 2>, scalar_prefetch = 0 : i64, scratch_operands = 0 : i64, tpu.core_type = #tpu.core_type<tc>, window_params = [{transform_indices = @transform_0, window_bounds = array<i64: 1024, 2>}, {pipeline_mode = #tpu.pipeline_mode<synchronous>, transform_indices = @transform_1, window_bounds = array<i64: 2, 16384>}, {transform_indices = @transform_2, window_bounds = array<i64: 1024, 1>}]} {
    %get3A = arith.constant 0 : index
    %get3A_0 = arith.constant 0 : index
    %get3A_1 = vector.load %arg1[%get3A, %get3A_0] : memref<1024x2xf32, #tpu.memory_space<vmem>>, vector<1024x1xf32>
    %get3A_2 = arith.constant 0 : index
    %get3A_3 = arith.constant 1 : index
    %get3A_4 = vector.load %arg1[%get3A_2, %get3A_3] : memref<1024x2xf32, #tpu.memory_space<vmem>>, vector<1024x1xf32>
    %mul3A = arith.mulf %get3A_1, %get3A_1 : vector<1024x1xf32>
    %mul3A_5 = arith.mulf %get3A_4, %get3A_4 : vector<1024x1xf32>
    %add3A = arith.addf %mul3A, %mul3A_5 : vector<1024x1xf32>
    %get3A_6 = arith.constant 0 : index
    %get3A_7 = arith.constant 0 : index
    %get3A_8 = vector.load %arg1[%get3A_6, %get3A_7] : memref<1024x2xf32, #tpu.memory_space<vmem>>, vector<1024x2xf32>
    %mul3A_9 = arith.constant 2.000000e+00 : f32
    %mul3A_10 = vector.broadcast %mul3A_9 : f32 to vector<1024x2xf32>
    %mul3A_11 = arith.mulf %get3A_8, %mul3A_10 : vector<1024x2xf32>
    %convert_element_type3A = arith.truncf %mul3A_11 : vector<1024x2xf32> to vector<1024x2xbf16>
    %iota3A = tpu.iota {dimensions = array<i32: 1>} : vector<1x128xi32>
    %get3A_12 = arith.constant 0 : index
    %get3A_13 = arith.constant 0 : index
    %get3A_14 = vector.load %arg2[%get3A_12, %get3A_13] : memref<2x16384xf32, #tpu.memory_space<vmem>>, vector<2x1024xf32>
    %slice3A = vector.extract_strided_slice %get3A_14 {offsets = [0, 0], sizes = [1, 1024], strides = [1, 1]} : vector<2x1024xf32> to vector<1x1024xf32>
    %slice3A_15 = vector.extract_strided_slice %get3A_14 {offsets = [1, 0], sizes = [1, 1024], strides = [1, 1]} : vector<2x1024xf32> to vector<1x1024xf32>
    %mul3A_16 = arith.mulf %slice3A, %slice3A : vector<1x1024xf32>
    %mul3A_17 = arith.mulf %slice3A_15, %slice3A_15 : vector<1x1024xf32>
    %add3A_18 = arith.addf %mul3A_16, %mul3A_17 : vector<1x1024xf32>
    %convert_element_type3A_19 = arith.truncf %get3A_14 : vector<2x1024xf32> to vector<2x1024xbf16>
    %dot_general3A = arith.constant dense<0.000000e+00> : vector<1024x1024xf32>
    %dot_general3A_20 = tpu.matmul %convert_element_type3A, %convert_element_type3A_19, %dot_general3A {dimension_numbers = #tpu.dot_dimension_numbers<[1], [0], [0], [1], [0, 0, 1, 1], [], []>, transpose_lhs_hint = false} : vector<1024x2xbf16>, vector<2x1024xbf16>, vector<1024x1024xf32> -> vector<1024x1024xf32>
    %add3A_21 = vector.broadcast %add3A : vector<1024x1xf32> to vector<1024x1024xf32>
    %add3A_22 = vector.broadcast %add3A_18 : vector<1x1024xf32> to vector<1024x1024xf32>
    %add3A_23 = arith.addf %add3A_21, %add3A_22 : vector<1024x1024xf32>
    %sub3A = arith.subf %add3A_23, %dot_general3A_20 : vector<1024x1024xf32>
    %bitcast_convert_type3A = tpu.bitcast %sub3A : vector<1024x1024xf32> -> vector<1024x1024xi32>
    %xor3A = arith.constant -2147483648 : i32
    %xor3A_24 = vector.broadcast %xor3A : i32 to vector<1024x1024xi32>
    %xor3A_25 = arith.xori %bitcast_convert_type3A, %xor3A_24 : vector<1024x1024xi32>
    %slice3A_26 = vector.extract_strided_slice %xor3A_25 {offsets = [0, 0], sizes = [1024, 128], strides = [1, 1]} : vector<1024x1024xi32> to vector<1024x128xi32>
    %add3A_27 = arith.constant 0 : i32
    %add3A_28 = vector.broadcast %add3A_27 : i32 to vector<1x128xi32>
    %add3A_29 = arith.addi %iota3A, %add3A_28 : vector<1x128xi32>
    %broadcast_in_dim3A = vector.shape_cast %add3A_29 : vector<1x128xi32> to vector<1x128xi32>
    %broadcast_in_dim3A_30 = vector.broadcast %broadcast_in_dim3A : vector<1x128xi32> to vector<1024x128xi32>
    %slice3A_31 = vector.extract_strided_slice %xor3A_25 {offsets = [0, 128], sizes = [1024, 128], strides = [1, 1]} : vector<1024x1024xi32> to vector<1024x128xi32>
    %add3A_32 = arith.constant 128 : i32
    %add3A_33 = vector.broadcast %add3A_32 : i32 to vector<1x128xi32>
    %add3A_34 = arith.addi %iota3A, %add3A_33 : vector<1x128xi32>
    %broadcast_in_dim3A_35 = vector.shape_cast %add3A_34 : vector<1x128xi32> to vector<1x128xi32>
    %broadcast_in_dim3A_36 = vector.broadcast %broadcast_in_dim3A_35 : vector<1x128xi32> to vector<1024x128xi32>
    %slice3A_37 = vector.extract_strided_slice %xor3A_25 {offsets = [0, 256], sizes = [1024, 128], strides = [1, 1]} : vector<1024x1024xi32> to vector<1024x128xi32>
    %add3A_38 = arith.constant 256 : i32
    %add3A_39 = vector.broadcast %add3A_38 : i32 to vector<1x128xi32>
    %add3A_40 = arith.addi %iota3A, %add3A_39 : vector<1x128xi32>
    %broadcast_in_dim3A_41 = vector.shape_cast %add3A_40 : vector<1x128xi32> to vector<1x128xi32>
    %broadcast_in_dim3A_42 = vector.broadcast %broadcast_in_dim3A_41 : vector<1x128xi32> to vector<1024x128xi32>
    %slice3A_43 = vector.extract_strided_slice %xor3A_25 {offsets = [0, 384], sizes = [1024, 128], strides = [1, 1]} : vector<1024x1024xi32> to vector<1024x128xi32>
    %add3A_44 = arith.constant 384 : i32
    %add3A_45 = vector.broadcast %add3A_44 : i32 to vector<1x128xi32>
    %add3A_46 = arith.addi %iota3A, %add3A_45 : vector<1x128xi32>
    %broadcast_in_dim3A_47 = vector.shape_cast %add3A_46 : vector<1x128xi32> to vector<1x128xi32>
    %broadcast_in_dim3A_48 = vector.broadcast %broadcast_in_dim3A_47 : vector<1x128xi32> to vector<1024x128xi32>
    %slice3A_49 = vector.extract_strided_slice %xor3A_25 {offsets = [0, 512], sizes = [1024, 128], strides = [1, 1]} : vector<1024x1024xi32> to vector<1024x128xi32>
    %add3A_50 = arith.constant 512 : i32
    %add3A_51 = vector.broadcast %add3A_50 : i32 to vector<1x128xi32>
    %add3A_52 = arith.addi %iota3A, %add3A_51 : vector<1x128xi32>
    %broadcast_in_dim3A_53 = vector.shape_cast %add3A_52 : vector<1x128xi32> to vector<1x128xi32>
    %broadcast_in_dim3A_54 = vector.broadcast %broadcast_in_dim3A_53 : vector<1x128xi32> to vector<1024x128xi32>
    %slice3A_55 = vector.extract_strided_slice %xor3A_25 {offsets = [0, 640], sizes = [1024, 128], strides = [1, 1]} : vector<1024x1024xi32> to vector<1024x128xi32>
    %add3A_56 = arith.constant 640 : i32
    %add3A_57 = vector.broadcast %add3A_56 : i32 to vector<1x128xi32>
    %add3A_58 = arith.addi %iota3A, %add3A_57 : vector<1x128xi32>
    %broadcast_in_dim3A_59 = vector.shape_cast %add3A_58 : vector<1x128xi32> to vector<1x128xi32>
    %broadcast_in_dim3A_60 = vector.broadcast %broadcast_in_dim3A_59 : vector<1x128xi32> to vector<1024x128xi32>
    %slice3A_61 = vector.extract_strided_slice %xor3A_25 {offsets = [0, 768], sizes = [1024, 128], strides = [1, 1]} : vector<1024x1024xi32> to vector<1024x128xi32>
    %add3A_62 = arith.constant 768 : i32
    %add3A_63 = vector.broadcast %add3A_62 : i32 to vector<1x128xi32>
    %add3A_64 = arith.addi %iota3A, %add3A_63 : vector<1x128xi32>
    %broadcast_in_dim3A_65 = vector.shape_cast %add3A_64 : vector<1x128xi32> to vector<1x128xi32>
    %broadcast_in_dim3A_66 = vector.broadcast %broadcast_in_dim3A_65 : vector<1x128xi32> to vector<1024x128xi32>
    %slice3A_67 = vector.extract_strided_slice %xor3A_25 {offsets = [0, 896], sizes = [1024, 128], strides = [1, 1]} : vector<1024x1024xi32> to vector<1024x128xi32>
    %add3A_68 = arith.constant 896 : i32
    %add3A_69 = vector.broadcast %add3A_68 : i32 to vector<1x128xi32>
    %add3A_70 = arith.addi %iota3A, %add3A_69 : vector<1x128xi32>
    %broadcast_in_dim3A_71 = vector.shape_cast %add3A_70 : vector<1x128xi32> to vector<1x128xi32>
    %broadcast_in_dim3A_72 = vector.broadcast %broadcast_in_dim3A_71 : vector<1x128xi32> to vector<1024x128xi32>
    %le3A = arith.cmpi sle, %slice3A_26, %slice3A_31 : vector<1024x128xi32>
    %select_n3A = arith.select %le3A, %slice3A_26, %slice3A_31 : vector<1024x128xi1>, vector<1024x128xi32>
    %select_n3A_73 = arith.select %le3A, %broadcast_in_dim3A_30, %broadcast_in_dim3A_36 : vector<1024x128xi1>, vector<1024x128xi32>
    %le3A_74 = arith.cmpi sle, %slice3A_37, %slice3A_43 : vector<1024x128xi32>
    %select_n3A_75 = arith.select %le3A_74, %slice3A_37, %slice3A_43 : vector<1024x128xi1>, vector<1024x128xi32>
    %select_n3A_76 = arith.select %le3A_74, %broadcast_in_dim3A_42, %broadcast_in_dim3A_48 : vector<1024x128xi1>, vector<1024x128xi32>
    %le3A_77 = arith.cmpi sle, %slice3A_49, %slice3A_55 : vector<1024x128xi32>
    %select_n3A_78 = arith.select %le3A_77, %slice3A_49, %slice3A_55 : vector<1024x128xi1>, vector<1024x128xi32>
    %select_n3A_79 = arith.select %le3A_77, %broadcast_in_dim3A_54, %broadcast_in_dim3A_60 : vector<1024x128xi1>, vector<1024x128xi32>
    %le3A_80 = arith.cmpi sle, %slice3A_61, %slice3A_67 : vector<1024x128xi32>
    %select_n3A_81 = arith.select %le3A_80, %slice3A_61, %slice3A_67 : vector<1024x128xi1>, vector<1024x128xi32>
    %select_n3A_82 = arith.select %le3A_80, %broadcast_in_dim3A_66, %broadcast_in_dim3A_72 : vector<1024x128xi1>, vector<1024x128xi32>
    %le3A_83 = arith.cmpi sle, %select_n3A, %select_n3A_75 : vector<1024x128xi32>
    %select_n3A_84 = arith.select %le3A_83, %select_n3A, %select_n3A_75 : vector<1024x128xi1>, vector<1024x128xi32>
    %select_n3A_85 = arith.select %le3A_83, %select_n3A_73, %select_n3A_76 : vector<1024x128xi1>, vector<1024x128xi32>
    %le3A_86 = arith.cmpi sle, %select_n3A_78, %select_n3A_81 : vector<1024x128xi32>
    %select_n3A_87 = arith.select %le3A_86, %select_n3A_78, %select_n3A_81 : vector<1024x128xi1>, vector<1024x128xi32>
    %select_n3A_88 = arith.select %le3A_86, %select_n3A_79, %select_n3A_82 : vector<1024x128xi1>, vector<1024x128xi32>
    %le3A_89 = arith.cmpi sle, %select_n3A_84, %select_n3A_87 : vector<1024x128xi32>
    %select_n3A_90 = arith.select %le3A_89, %select_n3A_84, %select_n3A_87 : vector<1024x128xi1>, vector<1024x128xi32>
    %select_n3A_91 = arith.select %le3A_89, %select_n3A_85, %select_n3A_88 : vector<1024x128xi1>, vector<1024x128xi32>
    %get3A_92 = arith.constant 0 : index
    %get3A_93 = arith.constant 1024 : index
    %get3A_94 = vector.load %arg2[%get3A_92, %get3A_93] : memref<2x16384xf32, #tpu.memory_space<vmem>>, vector<2x1024xf32>
    %slice3A_95 = vector.extract_strided_slice %get3A_94 {offsets = [0, 0], sizes = [1, 1024], strides = [1, 1]} : vector<2x1024xf32> to vector<1x1024xf32>
    %slice3A_96 = vector.extract_strided_slice %get3A_94 {offsets = [1, 0], sizes = [1, 1024], strides = [1, 1]} : vector<2x1024xf32> to vector<1x1024xf32>
    %mul3A_97 = arith.mulf %slice3A_95, %slice3A_95 : vector<1x1024xf32>
    %mul3A_98 = arith.mulf %slice3A_96, %slice3A_96 : vector<1x1024xf32>
    %add3A_99 = arith.addf %mul3A_97, %mul3A_98 : vector<1x1024xf32>
    %convert_element_type3A_100 = arith.truncf %get3A_94 : vector<2x1024xf32> to vector<2x1024xbf16>
    %dot_general3A_101 = arith.constant dense<0.000000e+00> : vector<1024x1024xf32>
    %dot_general3A_102 = tpu.matmul %convert_element_type3A, %convert_element_type3A_100, %dot_general3A_101 {dimension_numbers = #tpu.dot_dimension_numbers<[1], [0], [0], [1], [0, 0, 1, 1], [], []>, transpose_lhs_hint = false} : vector<1024x2xbf16>, vector<2x1024xbf16>, vector<1024x1024xf32> -> vector<1024x1024xf32>
    %add3A_103 = vector.broadcast %add3A : vector<1024x1xf32> to vector<1024x1024xf32>
    %add3A_104 = vector.broadcast %add3A_99 : vector<1x1024xf32> to vector<1024x1024xf32>
    %add3A_105 = arith.addf %add3A_103, %add3A_104 : vector<1024x1024xf32>
    %sub3A_106 = arith.subf %add3A_105, %dot_general3A_102 : vector<1024x1024xf32>
    %bitcast_convert_type3A_107 = tpu.bitcast %sub3A_106 : vector<1024x1024xf32> -> vector<1024x1024xi32>
    %xor3A_108 = arith.constant -2147483648 : i32
    %xor3A_109 = vector.broadcast %xor3A_108 : i32 to vector<1024x1024xi32>
    %xor3A_110 = arith.xori %bitcast_convert_type3A_107, %xor3A_109 : vector<1024x1024xi32>
    %slice3A_111 = vector.extract_strided_slice %xor3A_110 {offsets = [0, 0], sizes = [1024, 128], strides = [1, 1]} : vector<1024x1024xi32> to vector<1024x128xi32>
    %add3A_112 = arith.constant 1024 : i32
    %add3A_113 = vector.broadcast %add3A_112 : i32 to vector<1x128xi32>
    %add3A_114 = arith.addi %iota3A, %add3A_113 : vector<1x128xi32>
    %broadcast_in_dim3A_115 = vector.shape_cast %add3A_114 : vector<1x128xi32> to vector<1x128xi32>
    %broadcast_in_dim3A_116 = vector.broadcast %broadcast_in_dim3A_115 : vector<1x128xi32> to vector<1024x128xi32>
    %slice3A_117 = vector.extract_strided_slice %xor3A_110 {offsets = [0, 128], sizes = [1024, 128], strides = [1, 1]} : vector<1024x1024xi32> to vector<1024x128xi32>
    %add3A_118 = arith.constant 1152 : i32
    %add3A_119 = vector.broadcast %add3A_118 : i32 to vector<1x128xi32>
    %add3A_120 = arith.addi %iota3A, %add3A_119 : vector<1x128xi32>
    %broadcast_in_dim3A_121 = vector.shape_cast %add3A_120 : vector<1x128xi32> to vector<1x128xi32>
    %broadcast_in_dim3A_122 = vector.broadcast %broadcast_in_dim3A_121 : vector<1x128xi32> to vector<1024x128xi32>
    %slice3A_123 = vector.extract_strided_slice %xor3A_110 {offsets = [0, 256], sizes = [1024, 128], strides = [1, 1]} : vector<1024x1024xi32> to vector<1024x128xi32>
    %add3A_124 = arith.constant 1280 : i32
    %add3A_125 = vector.broadcast %add3A_124 : i32 to vector<1x128xi32>
    %add3A_126 = arith.addi %iota3A, %add3A_125 : vector<1x128xi32>
    %broadcast_in_dim3A_127 = vector.shape_cast %add3A_126 : vector<1x128xi32> to vector<1x128xi32>
    %broadcast_in_dim3A_128 = vector.broadcast %broadcast_in_dim3A_127 : vector<1x128xi32> to vector<1024x128xi32>
    %slice3A_129 = vector.extract_strided_slice %xor3A_110 {offsets = [0, 384], sizes = [1024, 128], strides = [1, 1]} : vector<1024x1024xi32> to vector<1024x128xi32>
    %add3A_130 = arith.constant 1408 : i32
    %add3A_131 = vector.broadcast %add3A_130 : i32 to vector<1x128xi32>
    %add3A_132 = arith.addi %iota3A, %add3A_131 : vector<1x128xi32>
    %broadcast_in_dim3A_133 = vector.shape_cast %add3A_132 : vector<1x128xi32> to vector<1x128xi32>
    %broadcast_in_dim3A_134 = vector.broadcast %broadcast_in_dim3A_133 : vector<1x128xi32> to vector<1024x128xi32>
    %slice3A_135 = vector.extract_strided_slice %xor3A_110 {offsets = [0, 512], sizes = [1024, 128], strides = [1, 1]} : vector<1024x1024xi32> to vector<1024x128xi32>
    %add3A_136 = arith.constant 1536 : i32
    %add3A_137 = vector.broadcast %add3A_136 : i32 to vector<1x128xi32>
    %add3A_138 = arith.addi %iota3A, %add3A_137 : vector<1x128xi32>
    %broadcast_in_dim3A_139 = vector.shape_cast %add3A_138 : vector<1x128xi32> to vector<1x128xi32>
    %broadcast_in_dim3A_140 = vector.broadcast %broadcast_in_dim3A_139 : vector<1x128xi32> to vector<1024x128xi32>
    %slice3A_141 = vector.extract_strided_slice %xor3A_110 {offsets = [0, 640], sizes = [1024, 128], strides = [1, 1]} : vector<1024x1024xi32> to vector<1024x128xi32>
    %add3A_142 = arith.constant 1664 : i32
    %add3A_143 = vector.broadcast %add3A_142 : i32 to vector<1x128xi32>
    %add3A_144 = arith.addi %iota3A, %add3A_143 : vector<1x128xi32>
    %broadcast_in_dim3A_145 = vector.shape_cast %add3A_144 : vector<1x128xi32> to vector<1x128xi32>
    %broadcast_in_dim3A_146 = vector.broadcast %broadcast_in_dim3A_145 : vector<1x128xi32> to vector<1024x128xi32>
    %slice3A_147 = vector.extract_strided_slice %xor3A_110 {offsets = [0, 768], sizes = [1024, 128], strides = [1, 1]} : vector<1024x1024xi32> to vector<1024x128xi32>
    %add3A_148 = arith.constant 1792 : i32
    %add3A_149 = vector.broadcast %add3A_148 : i32 to vector<1x128xi32>
    %add3A_150 = arith.addi %iota3A, %add3A_149 : vector<1x128xi32>
    %broadcast_in_dim3A_151 = vector.shape_cast %add3A_150 : vector<1x128xi32> to vector<1x128xi32>
    %broadcast_in_dim3A_152 = vector.broadcast %broadcast_in_dim3A_151 : vector<1x128xi32> to vector<1024x128xi32>
    %slice3A_153 = vector.extract_strided_slice %xor3A_110 {offsets = [0, 896], sizes = [1024, 128], strides = [1, 1]} : vector<1024x1024xi32> to vector<1024x128xi32>
    %add3A_154 = arith.constant 1920 : i32
    %add3A_155 = vector.broadcast %add3A_154 : i32 to vector<1x128xi32>
    %add3A_156 = arith.addi %iota3A, %add3A_155 : vector<1x128xi32>
    %broadcast_in_dim3A_157 = vector.shape_cast %add3A_156 : vector<1x128xi32> to vector<1x128xi32>
    %broadcast_in_dim3A_158 = vector.broadcast %broadcast_in_dim3A_157 : vector<1x128xi32> to vector<1024x128xi32>
    %le3A_159 = arith.cmpi sle, %slice3A_111, %slice3A_117 : vector<1024x128xi32>
    %select_n3A_160 = arith.select %le3A_159, %slice3A_111, %slice3A_117 : vector<1024x128xi1>, vector<1024x128xi32>
    %select_n3A_161 = arith.select %le3A_159, %broadcast_in_dim3A_116, %broadcast_in_dim3A_122 : vector<1024x128xi1>, vector<1024x128xi32>
    %le3A_162 = arith.cmpi sle, %slice3A_123, %slice3A_129 : vector<1024x128xi32>
    %select_n3A_163 = arith.select %le3A_162, %slice3A_123, %slice3A_129 : vector<1024x128xi1>, vector<1024x128xi32>
    %select_n3A_164 = arith.select %le3A_162, %broadcast_in_dim3A_128, %broadcast_in_dim3A_134 : vector<1024x128xi1>, vector<1024x128xi32>
    %le3A_165 = arith.cmpi sle, %slice3A_135, %slice3A_141 : vector<1024x128xi32>
    %select_n3A_166 = arith.select %le3A_165, %slice3A_135, %slice3A_141 : vector<1024x128xi1>, vector<1024x128xi32>
    %select_n3A_167 = arith.select %le3A_165, %broadcast_in_dim3A_140, %broadcast_in_dim3A_146 : vector<1024x128xi1>, vector<1024x128xi32>
    %le3A_168 = arith.cmpi sle, %slice3A_147, %slice3A_153 : vector<1024x128xi32>
    %select_n3A_169 = arith.select %le3A_168, %slice3A_147, %slice3A_153 : vector<1024x128xi1>, vector<1024x128xi32>
    %select_n3A_170 = arith.select %le3A_168, %broadcast_in_dim3A_152, %broadcast_in_dim3A_158 : vector<1024x128xi1>, vector<1024x128xi32>
    %le3A_171 = arith.cmpi sle, %select_n3A_160, %select_n3A_163 : vector<1024x128xi32>
    %select_n3A_172 = arith.select %le3A_171, %select_n3A_160, %select_n3A_163 : vector<1024x128xi1>, vector<1024x128xi32>
    %select_n3A_173 = arith.select %le3A_171, %select_n3A_161, %select_n3A_164 : vector<1024x128xi1>, vector<1024x128xi32>
    %le3A_174 = arith.cmpi sle, %select_n3A_166, %select_n3A_169 : vector<1024x128xi32>
    %select_n3A_175 = arith.select %le3A_174, %select_n3A_166, %select_n3A_169 : vector<1024x128xi1>, vector<1024x128xi32>
    %select_n3A_176 = arith.select %le3A_174, %select_n3A_167, %select_n3A_170 : vector<1024x128xi1>, vector<1024x128xi32>
    %le3A_177 = arith.cmpi sle, %select_n3A_172, %select_n3A_175 : vector<1024x128xi32>
    %select_n3A_178 = arith.select %le3A_177, %select_n3A_172, %select_n3A_175 : vector<1024x128xi1>, vector<1024x128xi32>
    %select_n3A_179 = arith.select %le3A_177, %select_n3A_173, %select_n3A_176 : vector<1024x128xi1>, vector<1024x128xi32>
    %le3A_180 = arith.cmpi sle, %select_n3A_90, %select_n3A_178 : vector<1024x128xi32>
    %select_n3A_181 = arith.select %le3A_180, %select_n3A_90, %select_n3A_178 : vector<1024x128xi1>, vector<1024x128xi32>
    %select_n3A_182 = arith.select %le3A_180, %select_n3A_91, %select_n3A_179 : vector<1024x128xi1>, vector<1024x128xi32>
    %get3A_183 = arith.constant 0 : index
    %get3A_184 = arith.constant 2048 : index
    %get3A_185 = vector.load %arg2[%get3A_183, %get3A_184] : memref<2x16384xf32, #tpu.memory_space<vmem>>, vector<2x1024xf32>
    %slice3A_186 = vector.extract_strided_slice %get3A_185 {offsets = [0, 0], sizes = [1, 1024], strides = [1, 1]} : vector<2x1024xf32> to vector<1x1024xf32>
    %slice3A_187 = vector.extract_strided_slice %get3A_185 {offsets = [1, 0], sizes = [1, 1024], strides = [1, 1]} : vector<2x1024xf32> to vector<1x1024xf32>
    %mul3A_188 = arith.mulf %slice3A_186, %slice3A_186 : vector<1x1024xf32>
    %mul3A_189 = arith.mulf %slice3A_187, %slice3A_187 : vector<1x1024xf32>
    %add3A_190 = arith.addf %mul3A_188, %mul3A_189 : vector<1x1024xf32>
    %convert_element_type3A_191 = arith.truncf %get3A_185 : vector<2x1024xf32> to vector<2x1024xbf16>
    %dot_general3A_192 = arith.constant dense<0.000000e+00> : vector<1024x1024xf32>
    %dot_general3A_193 = tpu.matmul %convert_element_type3A, %convert_element_type3A_191, %dot_general3A_192 {dimension_numbers = #tpu.dot_dimension_numbers<[1], [0], [0], [1], [0, 0, 1, 1], [], []>, transpose_lhs_hint = false} : vector<1024x2xbf16>, vector<2x1024xbf16>, vector<1024x1024xf32> -> vector<1024x1024xf32>
    %add3A_194 = vector.broadcast %add3A : vector<1024x1xf32> to vector<1024x1024xf32>
    %add3A_195 = vector.broadcast %add3A_190 : vector<1x1024xf32> to vector<1024x1024xf32>
    %add3A_196 = arith.addf %add3A_194, %add3A_195 : vector<1024x1024xf32>
    %sub3A_197 = arith.subf %add3A_196, %dot_general3A_193 : vector<1024x1024xf32>
    %bitcast_convert_type3A_198 = tpu.bitcast %sub3A_197 : vector<1024x1024xf32> -> vector<1024x1024xi32>
    %xor3A_199 = arith.constant -2147483648 : i32
    %xor3A_200 = vector.broadcast %xor3A_199 : i32 to vector<1024x1024xi32>
    %xor3A_201 = arith.xori %bitcast_convert_type3A_198, %xor3A_200 : vector<1024x1024xi32>
    %slice3A_202 = vector.extract_strided_slice %xor3A_201 {offsets = [0, 0], sizes = [1024, 128], strides = [1, 1]} : vector<1024x1024xi32> to vector<1024x128xi32>
    %add3A_203 = arith.constant 2048 : i32
    %add3A_204 = vector.broadcast %add3A_203 : i32 to vector<1x128xi32>
    %add3A_205 = arith.addi %iota3A, %add3A_204 : vector<1x128xi32>
    %broadcast_in_dim3A_206 = vector.shape_cast %add3A_205 : vector<1x128xi32> to vector<1x128xi32>
    %broadcast_in_dim3A_207 = vector.broadcast %broadcast_in_dim3A_206 : vector<1x128xi32> to vector<1024x128xi32>
    %slice3A_208 = vector.extract_strided_slice %xor3A_201 {offsets = [0, 128], sizes = [1024, 128], strides = [1, 1]} : vector<1024x1024xi32> to vector<1024x128xi32>
    %add3A_209 = arith.constant 2176 : i32
    %add3A_210 = vector.broadcast %add3A_209 : i32 to vector<1x128xi32>
    %add3A_211 = arith.addi %iota3A, %add3A_210 : vector<1x128xi32>
    %broadcast_in_dim3A_212 = vector.shape_cast %add3A_211 : vector<1x128xi32> to vector<1x128xi32>
    %broadcast_in_dim3A_213 = vector.broadcast %broadcast_in_dim3A_212 : vector<1x128xi32> to vector<1024x128xi32>
    %slice3A_214 = vector.extract_strided_slice %xor3A_201 {offsets = [0, 256], sizes = [1024, 128], strides = [1, 1]} : vector<1024x1024xi32> to vector<1024x128xi32>
    %add3A_215 = arith.constant 2304 : i32
    %add3A_216 = vector.broadcast %add3A_215 : i32 to vector<1x128xi32>
    %add3A_217 = arith.addi %iota3A, %add3A_216 : vector<1x128xi32>
    %broadcast_in_dim3A_218 = vector.shape_cast %add3A_217 : vector<1x128xi32> to vector<1x128xi32>
    %broadcast_in_dim3A_219 = vector.broadcast %broadcast_in_dim3A_218 : vector<1x128xi32> to vector<1024x128xi32>
    %slice3A_220 = vector.extract_strided_slice %xor3A_201 {offsets = [0, 384], sizes = [1024, 128], strides = [1, 1]} : vector<1024x1024xi32> to vector<1024x128xi32>
    %add3A_221 = arith.constant 2432 : i32
    %add3A_222 = vector.broadcast %add3A_221 : i32 to vector<1x128xi32>
    %add3A_223 = arith.addi %iota3A, %add3A_222 : vector<1x128xi32>
    %broadcast_in_dim3A_224 = vector.shape_cast %add3A_223 : vector<1x128xi32> to vector<1x128xi32>
    %broadcast_in_dim3A_225 = vector.broadcast %broadcast_in_dim3A_224 : vector<1x128xi32> to vector<1024x128xi32>
    %slice3A_226 = vector.extract_strided_slice %xor3A_201 {offsets = [0, 512], sizes = [1024, 128], strides = [1, 1]} : vector<1024x1024xi32> to vector<1024x128xi32>
    %add3A_227 = arith.constant 2560 : i32
    %add3A_228 = vector.broadcast %add3A_227 : i32 to vector<1x128xi32>
    %add3A_229 = arith.addi %iota3A, %add3A_228 : vector<1x128xi32>
    %broadcast_in_dim3A_230 = vector.shape_cast %add3A_229 : vector<1x128xi32> to vector<1x128xi32>
    %broadcast_in_dim3A_231 = vector.broadcast %broadcast_in_dim3A_230 : vector<1x128xi32> to vector<1024x128xi32>
    %slice3A_232 = vector.extract_strided_slice %xor3A_201 {offsets = [0, 640], sizes = [1024, 128], strides = [1, 1]} : vector<1024x1024xi32> to vector<1024x128xi32>
    %add3A_233 = arith.constant 2688 : i32
    %add3A_234 = vector.broadcast %add3A_233 : i32 to vector<1x128xi32>
    %add3A_235 = arith.addi %iota3A, %add3A_234 : vector<1x128xi32>
    %broadcast_in_dim3A_236 = vector.shape_cast %add3A_235 : vector<1x128xi32> to vector<1x128xi32>
    %broadcast_in_dim3A_237 = vector.broadcast %broadcast_in_dim3A_236 : vector<1x128xi32> to vector<1024x128xi32>
    %slice3A_238 = vector.extract_strided_slice %xor3A_201 {offsets = [0, 768], sizes = [1024, 128], strides = [1, 1]} : vector<1024x1024xi32> to vector<1024x128xi32>
    %add3A_239 = arith.constant 2816 : i32
    %add3A_240 = vector.broadcast %add3A_239 : i32 to vector<1x128xi32>
    %add3A_241 = arith.addi %iota3A, %add3A_240 : vector<1x128xi32>
    %broadcast_in_dim3A_242 = vector.shape_cast %add3A_241 : vector<1x128xi32> to vector<1x128xi32>
    %broadcast_in_dim3A_243 = vector.broadcast %broadcast_in_dim3A_242 : vector<1x128xi32> to vector<1024x128xi32>
    %slice3A_244 = vector.extract_strided_slice %xor3A_201 {offsets = [0, 896], sizes = [1024, 128], strides = [1, 1]} : vector<1024x1024xi32> to vector<1024x128xi32>
    %add3A_245 = arith.constant 2944 : i32
    %add3A_246 = vector.broadcast %add3A_245 : i32 to vector<1x128xi32>
    %add3A_247 = arith.addi %iota3A, %add3A_246 : vector<1x128xi32>
    %broadcast_in_dim3A_248 = vector.shape_cast %add3A_247 : vector<1x128xi32> to vector<1x128xi32>
    %broadcast_in_dim3A_249 = vector.broadcast %broadcast_in_dim3A_248 : vector<1x128xi32> to vector<1024x128xi32>
    %le3A_250 = arith.cmpi sle, %slice3A_202, %slice3A_208 : vector<1024x128xi32>
    %select_n3A_251 = arith.select %le3A_250, %slice3A_202, %slice3A_208 : vector<1024x128xi1>, vector<1024x128xi32>
    %select_n3A_252 = arith.select %le3A_250, %broadcast_in_dim3A_207, %broadcast_in_dim3A_213 : vector<1024x128xi1>, vector<1024x128xi32>
    %le3A_253 = arith.cmpi sle, %slice3A_214, %slice3A_220 : vector<1024x128xi32>
    %select_n3A_254 = arith.select %le3A_253, %slice3A_214, %slice3A_220 : vector<1024x128xi1>, vector<1024x128xi32>
    %select_n3A_255 = arith.select %le3A_253, %broadcast_in_dim3A_219, %broadcast_in_dim3A_225 : vector<1024x128xi1>, vector<1024x128xi32>
    %le3A_256 = arith.cmpi sle, %slice3A_226, %slice3A_232 : vector<1024x128xi32>
    %select_n3A_257 = arith.select %le3A_256, %slice3A_226, %slice3A_232 : vector<1024x128xi1>, vector<1024x128xi32>
    %select_n3A_258 = arith.select %le3A_256, %broadcast_in_dim3A_231, %broadcast_in_dim3A_237 : vector<1024x128xi1>, vector<1024x128xi32>
    %le3A_259 = arith.cmpi sle, %slice3A_238, %slice3A_244 : vector<1024x128xi32>
    %select_n3A_260 = arith.select %le3A_259, %slice3A_238, %slice3A_244 : vector<1024x128xi1>, vector<1024x128xi32>
    %select_n3A_261 = arith.select %le3A_259, %broadcast_in_dim3A_243, %broadcast_in_dim3A_249 : vector<1024x128xi1>, vector<1024x128xi32>
    %le3A_262 = arith.cmpi sle, %select_n3A_251, %select_n3A_254 : vector<1024x128xi32>
    %select_n3A_263 = arith.select %le3A_262, %select_n3A_251, %select_n3A_254 : vector<1024x128xi1>, vector<1024x128xi32>
    %select_n3A_264 = arith.select %le3A_262, %select_n3A_252, %select_n3A_255 : vector<1024x128xi1>, vector<1024x128xi32>
    %le3A_265 = arith.cmpi sle, %select_n3A_257, %select_n3A_260 : vector<1024x128xi32>
    %select_n3A_266 = arith.select %le3A_265, %select_n3A_257, %select_n3A_260 : vector<1024x128xi1>, vector<1024x128xi32>
    %select_n3A_267 = arith.select %le3A_265, %select_n3A_258, %select_n3A_261 : vector<1024x128xi1>, vector<1024x128xi32>
    %le3A_268 = arith.cmpi sle, %select_n3A_263, %select_n3A_266 : vector<1024x128xi32>
    %select_n3A_269 = arith.select %le3A_268, %select_n3A_263, %select_n3A_266 : vector<1024x128xi1>, vector<1024x128xi32>
    %select_n3A_270 = arith.select %le3A_268, %select_n3A_264, %select_n3A_267 : vector<1024x128xi1>, vector<1024x128xi32>
    %le3A_271 = arith.cmpi sle, %select_n3A_181, %select_n3A_269 : vector<1024x128xi32>
    %select_n3A_272 = arith.select %le3A_271, %select_n3A_181, %select_n3A_269 : vector<1024x128xi1>, vector<1024x128xi32>
    %select_n3A_273 = arith.select %le3A_271, %select_n3A_182, %select_n3A_270 : vector<1024x128xi1>, vector<1024x128xi32>
    %get3A_274 = arith.constant 0 : index
    %get3A_275 = arith.constant 3072 : index
    %get3A_276 = vector.load %arg2[%get3A_274, %get3A_275] : memref<2x16384xf32, #tpu.memory_space<vmem>>, vector<2x1024xf32>
    %slice3A_277 = vector.extract_strided_slice %get3A_276 {offsets = [0, 0], sizes = [1, 1024], strides = [1, 1]} : vector<2x1024xf32> to vector<1x1024xf32>
    %slice3A_278 = vector.extract_strided_slice %get3A_276 {offsets = [1, 0], sizes = [1, 1024], strides = [1, 1]} : vector<2x1024xf32> to vector<1x1024xf32>
    %mul3A_279 = arith.mulf %slice3A_277, %slice3A_277 : vector<1x1024xf32>
    %mul3A_280 = arith.mulf %slice3A_278, %slice3A_278 : vector<1x1024xf32>
    %add3A_281 = arith.addf %mul3A_279, %mul3A_280 : vector<1x1024xf32>
    %convert_element_type3A_282 = arith.truncf %get3A_276 : vector<2x1024xf32> to vector<2x1024xbf16>
    %dot_general3A_283 = arith.constant dense<0.000000e+00> : vector<1024x1024xf32>
    %dot_general3A_284 = tpu.matmul %convert_element_type3A, %convert_element_type3A_282, %dot_general3A_283 {dimension_numbers = #tpu.dot_dimension_numbers<[1], [0], [0], [1], [0, 0, 1, 1], [], []>, transpose_lhs_hint = false} : vector<1024x2xbf16>, vector<2x1024xbf16>, vector<1024x1024xf32> -> vector<1024x1024xf32>
    %add3A_285 = vector.broadcast %add3A : vector<1024x1xf32> to vector<1024x1024xf32>
    %add3A_286 = vector.broadcast %add3A_281 : vector<1x1024xf32> to vector<1024x1024xf32>
    %add3A_287 = arith.addf %add3A_285, %add3A_286 : vector<1024x1024xf32>
    %sub3A_288 = arith.subf %add3A_287, %dot_general3A_284 : vector<1024x1024xf32>
    %bitcast_convert_type3A_289 = tpu.bitcast %sub3A_288 : vector<1024x1024xf32> -> vector<1024x1024xi32>
    %xor3A_290 = arith.constant -2147483648 : i32
    %xor3A_291 = vector.broadcast %xor3A_290 : i32 to vector<1024x1024xi32>
    %xor3A_292 = arith.xori %bitcast_convert_type3A_289, %xor3A_291 : vector<1024x1024xi32>
    %slice3A_293 = vector.extract_strided_slice %xor3A_292 {offsets = [0, 0], sizes = [1024, 128], strides = [1, 1]} : vector<1024x1024xi32> to vector<1024x128xi32>
    %add3A_294 = arith.constant 3072 : i32
    %add3A_295 = vector.broadcast %add3A_294 : i32 to vector<1x128xi32>
    %add3A_296 = arith.addi %iota3A, %add3A_295 : vector<1x128xi32>
    %broadcast_in_dim3A_297 = vector.shape_cast %add3A_296 : vector<1x128xi32> to vector<1x128xi32>
    %broadcast_in_dim3A_298 = vector.broadcast %broadcast_in_dim3A_297 : vector<1x128xi32> to vector<1024x128xi32>
    %slice3A_299 = vector.extract_strided_slice %xor3A_292 {offsets = [0, 128], sizes = [1024, 128], strides = [1, 1]} : vector<1024x1024xi32> to vector<1024x128xi32>
    %add3A_300 = arith.constant 3200 : i32
    %add3A_301 = vector.broadcast %add3A_300 : i32 to vector<1x128xi32>
    %add3A_302 = arith.addi %iota3A, %add3A_301 : vector<1x128xi32>
    %broadcast_in_dim3A_303 = vector.shape_cast %add3A_302 : vector<1x128xi32> to vector<1x128xi32>
    %broadcast_in_dim3A_304 = vector.broadcast %broadcast_in_dim3A_303 : vector<1x128xi32> to vector<1024x128xi32>
    %slice3A_305 = vector.extract_strided_slice %xor3A_292 {offsets = [0, 256], sizes = [1024, 128], strides = [1, 1]} : vector<1024x1024xi32> to vector<1024x128xi32>
    %add3A_306 = arith.constant 3328 : i32
    %add3A_307 = vector.broadcast %add3A_306 : i32 to vector<1x128xi32>
    %add3A_308 = arith.addi %iota3A, %add3A_307 : vector<1x128xi32>
    %broadcast_in_dim3A_309 = vector.shape_cast %add3A_308 : vector<1x128xi32> to vector<1x128xi32>
    %broadcast_in_dim3A_310 = vector.broadcast %broadcast_in_dim3A_309 : vector<1x128xi32> to vector<1024x128xi32>
    %slice3A_311 = vector.extract_strided_slice %xor3A_292 {offsets = [0, 384], sizes = [1024, 128], strides = [1, 1]} : vector<1024x1024xi32> to vector<1024x128xi32>
    %add3A_312 = arith.constant 3456 : i32
    %add3A_313 = vector.broadcast %add3A_312 : i32 to vector<1x128xi32>
    %add3A_314 = arith.addi %iota3A, %add3A_313 : vector<1x128xi32>
    %broadcast_in_dim3A_315 = vector.shape_cast %add3A_314 : vector<1x128xi32> to vector<1x128xi32>
    %broadcast_in_dim3A_316 = vector.broadcast %broadcast_in_dim3A_315 : vector<1x128xi32> to vector<1024x128xi32>
    %slice3A_317 = vector.extract_strided_slice %xor3A_292 {offsets = [0, 512], sizes = [1024, 128], strides = [1, 1]} : vector<1024x1024xi32> to vector<1024x128xi32>
    %add3A_318 = arith.constant 3584 : i32
    %add3A_319 = vector.broadcast %add3A_318 : i32 to vector<1x128xi32>
    %add3A_320 = arith.addi %iota3A, %add3A_319 : vector<1x128xi32>
    %broadcast_in_dim3A_321 = vector.shape_cast %add3A_320 : vector<1x128xi32> to vector<1x128xi32>
    %broadcast_in_dim3A_322 = vector.broadcast %broadcast_in_dim3A_321 : vector<1x128xi32> to vector<1024x128xi32>
    %slice3A_323 = vector.extract_strided_slice %xor3A_292 {offsets = [0, 640], sizes = [1024, 128], strides = [1, 1]} : vector<1024x1024xi32> to vector<1024x128xi32>
    %add3A_324 = arith.constant 3712 : i32
    %add3A_325 = vector.broadcast %add3A_324 : i32 to vector<1x128xi32>
    %add3A_326 = arith.addi %iota3A, %add3A_325 : vector<1x128xi32>
    %broadcast_in_dim3A_327 = vector.shape_cast %add3A_326 : vector<1x128xi32> to vector<1x128xi32>
    %broadcast_in_dim3A_328 = vector.broadcast %broadcast_in_dim3A_327 : vector<1x128xi32> to vector<1024x128xi32>
    %slice3A_329 = vector.extract_strided_slice %xor3A_292 {offsets = [0, 768], sizes = [1024, 128], strides = [1, 1]} : vector<1024x1024xi32> to vector<1024x128xi32>
    %add3A_330 = arith.constant 3840 : i32
    %add3A_331 = vector.broadcast %add3A_330 : i32 to vector<1x128xi32>
    %add3A_332 = arith.addi %iota3A, %add3A_331 : vector<1x128xi32>
    %broadcast_in_dim3A_333 = vector.shape_cast %add3A_332 : vector<1x128xi32> to vector<1x128xi32>
    %broadcast_in_dim3A_334 = vector.broadcast %broadcast_in_dim3A_333 : vector<1x128xi32> to vector<1024x128xi32>
    %slice3A_335 = vector.extract_strided_slice %xor3A_292 {offsets = [0, 896], sizes = [1024, 128], strides = [1, 1]} : vector<1024x1024xi32> to vector<1024x128xi32>
    %add3A_336 = arith.constant 3968 : i32
    %add3A_337 = vector.broadcast %add3A_336 : i32 to vector<1x128xi32>
    %add3A_338 = arith.addi %iota3A, %add3A_337 : vector<1x128xi32>
    %broadcast_in_dim3A_339 = vector.shape_cast %add3A_338 : vector<1x128xi32> to vector<1x128xi32>
    %broadcast_in_dim3A_340 = vector.broadcast %broadcast_in_dim3A_339 : vector<1x128xi32> to vector<1024x128xi32>
    %le3A_341 = arith.cmpi sle, %slice3A_293, %slice3A_299 : vector<1024x128xi32>
    %select_n3A_342 = arith.select %le3A_341, %slice3A_293, %slice3A_299 : vector<1024x128xi1>, vector<1024x128xi32>
    %select_n3A_343 = arith.select %le3A_341, %broadcast_in_dim3A_298, %broadcast_in_dim3A_304 : vector<1024x128xi1>, vector<1024x128xi32>
    %le3A_344 = arith.cmpi sle, %slice3A_305, %slice3A_311 : vector<1024x128xi32>
    %select_n3A_345 = arith.select %le3A_344, %slice3A_305, %slice3A_311 : vector<1024x128xi1>, vector<1024x128xi32>
    %select_n3A_346 = arith.select %le3A_344, %broadcast_in_dim3A_310, %broadcast_in_dim3A_316 : vector<1024x128xi1>, vector<1024x128xi32>
    %le3A_347 = arith.cmpi sle, %slice3A_317, %slice3A_323 : vector<1024x128xi32>
    %select_n3A_348 = arith.select %le3A_347, %slice3A_317, %slice3A_323 : vector<1024x128xi1>, vector<1024x128xi32>
    %select_n3A_349 = arith.select %le3A_347, %broadcast_in_dim3A_322, %broadcast_in_dim3A_328 : vector<1024x128xi1>, vector<1024x128xi32>
    %le3A_350 = arith.cmpi sle, %slice3A_329, %slice3A_335 : vector<1024x128xi32>
    %select_n3A_351 = arith.select %le3A_350, %slice3A_329, %slice3A_335 : vector<1024x128xi1>, vector<1024x128xi32>
    %select_n3A_352 = arith.select %le3A_350, %broadcast_in_dim3A_334, %broadcast_in_dim3A_340 : vector<1024x128xi1>, vector<1024x128xi32>
    %le3A_353 = arith.cmpi sle, %select_n3A_342, %select_n3A_345 : vector<1024x128xi32>
    %select_n3A_354 = arith.select %le3A_353, %select_n3A_342, %select_n3A_345 : vector<1024x128xi1>, vector<1024x128xi32>
    %select_n3A_355 = arith.select %le3A_353, %select_n3A_343, %select_n3A_346 : vector<1024x128xi1>, vector<1024x128xi32>
    %le3A_356 = arith.cmpi sle, %select_n3A_348, %select_n3A_351 : vector<1024x128xi32>
    %select_n3A_357 = arith.select %le3A_356, %select_n3A_348, %select_n3A_351 : vector<1024x128xi1>, vector<1024x128xi32>
    %select_n3A_358 = arith.select %le3A_356, %select_n3A_349, %select_n3A_352 : vector<1024x128xi1>, vector<1024x128xi32>
    %le3A_359 = arith.cmpi sle, %select_n3A_354, %select_n3A_357 : vector<1024x128xi32>
    %select_n3A_360 = arith.select %le3A_359, %select_n3A_354, %select_n3A_357 : vector<1024x128xi1>, vector<1024x128xi32>
    %select_n3A_361 = arith.select %le3A_359, %select_n3A_355, %select_n3A_358 : vector<1024x128xi1>, vector<1024x128xi32>
    %le3A_362 = arith.cmpi sle, %select_n3A_272, %select_n3A_360 : vector<1024x128xi32>
    %select_n3A_363 = arith.select %le3A_362, %select_n3A_272, %select_n3A_360 : vector<1024x128xi1>, vector<1024x128xi32>
    %select_n3A_364 = arith.select %le3A_362, %select_n3A_273, %select_n3A_361 : vector<1024x128xi1>, vector<1024x128xi32>
    %get3A_365 = arith.constant 0 : index
    %get3A_366 = arith.constant 4096 : index
    %get3A_367 = vector.load %arg2[%get3A_365, %get3A_366] : memref<2x16384xf32, #tpu.memory_space<vmem>>, vector<2x1024xf32>
    %slice3A_368 = vector.extract_strided_slice %get3A_367 {offsets = [0, 0], sizes = [1, 1024], strides = [1, 1]} : vector<2x1024xf32> to vector<1x1024xf32>
    %slice3A_369 = vector.extract_strided_slice %get3A_367 {offsets = [1, 0], sizes = [1, 1024], strides = [1, 1]} : vector<2x1024xf32> to vector<1x1024xf32>
    %mul3A_370 = arith.mulf %slice3A_368, %slice3A_368 : vector<1x1024xf32>
    %mul3A_371 = arith.mulf %slice3A_369, %slice3A_369 : vector<1x1024xf32>
    %add3A_372 = arith.addf %mul3A_370, %mul3A_371 : vector<1x1024xf32>
    %convert_element_type3A_373 = arith.truncf %get3A_367 : vector<2x1024xf32> to vector<2x1024xbf16>
    %dot_general3A_374 = arith.constant dense<0.000000e+00> : vector<1024x1024xf32>
    %dot_general3A_375 = tpu.matmul %convert_element_type3A, %convert_element_type3A_373, %dot_general3A_374 {dimension_numbers = #tpu.dot_dimension_numbers<[1], [0], [0], [1], [0, 0, 1, 1], [], []>, transpose_lhs_hint = false} : vector<1024x2xbf16>, vector<2x1024xbf16>, vector<1024x1024xf32> -> vector<1024x1024xf32>
    %add3A_376 = vector.broadcast %add3A : vector<1024x1xf32> to vector<1024x1024xf32>
    %add3A_377 = vector.broadcast %add3A_372 : vector<1x1024xf32> to vector<1024x1024xf32>
    %add3A_378 = arith.addf %add3A_376, %add3A_377 : vector<1024x1024xf32>
    %sub3A_379 = arith.subf %add3A_378, %dot_general3A_375 : vector<1024x1024xf32>
    %bitcast_convert_type3A_380 = tpu.bitcast %sub3A_379 : vector<1024x1024xf32> -> vector<1024x1024xi32>
    %xor3A_381 = arith.constant -2147483648 : i32
    %xor3A_382 = vector.broadcast %xor3A_381 : i32 to vector<1024x1024xi32>
    %xor3A_383 = arith.xori %bitcast_convert_type3A_380, %xor3A_382 : vector<1024x1024xi32>
    %slice3A_384 = vector.extract_strided_slice %xor3A_383 {offsets = [0, 0], sizes = [1024, 128], strides = [1, 1]} : vector<1024x1024xi32> to vector<1024x128xi32>
    %add3A_385 = arith.constant 4096 : i32
    %add3A_386 = vector.broadcast %add3A_385 : i32 to vector<1x128xi32>
    %add3A_387 = arith.addi %iota3A, %add3A_386 : vector<1x128xi32>
    %broadcast_in_dim3A_388 = vector.shape_cast %add3A_387 : vector<1x128xi32> to vector<1x128xi32>
    %broadcast_in_dim3A_389 = vector.broadcast %broadcast_in_dim3A_388 : vector<1x128xi32> to vector<1024x128xi32>
    %slice3A_390 = vector.extract_strided_slice %xor3A_383 {offsets = [0, 128], sizes = [1024, 128], strides = [1, 1]} : vector<1024x1024xi32> to vector<1024x128xi32>
    %add3A_391 = arith.constant 4224 : i32
    %add3A_392 = vector.broadcast %add3A_391 : i32 to vector<1x128xi32>
    %add3A_393 = arith.addi %iota3A, %add3A_392 : vector<1x128xi32>
    %broadcast_in_dim3A_394 = vector.shape_cast %add3A_393 : vector<1x128xi32> to vector<1x128xi32>
    %broadcast_in_dim3A_395 = vector.broadcast %broadcast_in_dim3A_394 : vector<1x128xi32> to vector<1024x128xi32>
    %slice3A_396 = vector.extract_strided_slice %xor3A_383 {offsets = [0, 256], sizes = [1024, 128], strides = [1, 1]} : vector<1024x1024xi32> to vector<1024x128xi32>
    %add3A_397 = arith.constant 4352 : i32
    %add3A_398 = vector.broadcast %add3A_397 : i32 to vector<1x128xi32>
    %add3A_399 = arith.addi %iota3A, %add3A_398 : vector<1x128xi32>
    %broadcast_in_dim3A_400 = vector.shape_cast %add3A_399 : vector<1x128xi32> to vector<1x128xi32>
    %broadcast_in_dim3A_401 = vector.broadcast %broadcast_in_dim3A_400 : vector<1x128xi32> to vector<1024x128xi32>
    %slice3A_402 = vector.extract_strided_slice %xor3A_383 {offsets = [0, 384], sizes = [1024, 128], strides = [1, 1]} : vector<1024x1024xi32> to vector<1024x128xi32>
    %add3A_403 = arith.constant 4480 : i32
    %add3A_404 = vector.broadcast %add3A_403 : i32 to vector<1x128xi32>
    %add3A_405 = arith.addi %iota3A, %add3A_404 : vector<1x128xi32>
    %broadcast_in_dim3A_406 = vector.shape_cast %add3A_405 : vector<1x128xi32> to vector<1x128xi32>
    %broadcast_in_dim3A_407 = vector.broadcast %broadcast_in_dim3A_406 : vector<1x128xi32> to vector<1024x128xi32>
    %slice3A_408 = vector.extract_strided_slice %xor3A_383 {offsets = [0, 512], sizes = [1024, 128], strides = [1, 1]} : vector<1024x1024xi32> to vector<1024x128xi32>
    %add3A_409 = arith.constant 4608 : i32
    %add3A_410 = vector.broadcast %add3A_409 : i32 to vector<1x128xi32>
    %add3A_411 = arith.addi %iota3A, %add3A_410 : vector<1x128xi32>
    %broadcast_in_dim3A_412 = vector.shape_cast %add3A_411 : vector<1x128xi32> to vector<1x128xi32>
    %broadcast_in_dim3A_413 = vector.broadcast %broadcast_in_dim3A_412 : vector<1x128xi32> to vector<1024x128xi32>
    %slice3A_414 = vector.extract_strided_slice %xor3A_383 {offsets = [0, 640], sizes = [1024, 128], strides = [1, 1]} : vector<1024x1024xi32> to vector<1024x128xi32>
    %add3A_415 = arith.constant 4736 : i32
    %add3A_416 = vector.broadcast %add3A_415 : i32 to vector<1x128xi32>
    %add3A_417 = arith.addi %iota3A, %add3A_416 : vector<1x128xi32>
    %broadcast_in_dim3A_418 = vector.shape_cast %add3A_417 : vector<1x128xi32> to vector<1x128xi32>
    %broadcast_in_dim3A_419 = vector.broadcast %broadcast_in_dim3A_418 : vector<1x128xi32> to vector<1024x128xi32>
    %slice3A_420 = vector.extract_strided_slice %xor3A_383 {offsets = [0, 768], sizes = [1024, 128], strides = [1, 1]} : vector<1024x1024xi32> to vector<1024x128xi32>
    %add3A_421 = arith.constant 4864 : i32
    %add3A_422 = vector.broadcast %add3A_421 : i32 to vector<1x128xi32>
    %add3A_423 = arith.addi %iota3A, %add3A_422 : vector<1x128xi32>
    %broadcast_in_dim3A_424 = vector.shape_cast %add3A_423 : vector<1x128xi32> to vector<1x128xi32>
    %broadcast_in_dim3A_425 = vector.broadcast %broadcast_in_dim3A_424 : vector<1x128xi32> to vector<1024x128xi32>
    %slice3A_426 = vector.extract_strided_slice %xor3A_383 {offsets = [0, 896], sizes = [1024, 128], strides = [1, 1]} : vector<1024x1024xi32> to vector<1024x128xi32>
    %add3A_427 = arith.constant 4992 : i32
    %add3A_428 = vector.broadcast %add3A_427 : i32 to vector<1x128xi32>
    %add3A_429 = arith.addi %iota3A, %add3A_428 : vector<1x128xi32>
    %broadcast_in_dim3A_430 = vector.shape_cast %add3A_429 : vector<1x128xi32> to vector<1x128xi32>
    %broadcast_in_dim3A_431 = vector.broadcast %broadcast_in_dim3A_430 : vector<1x128xi32> to vector<1024x128xi32>
    %le3A_432 = arith.cmpi sle, %slice3A_384, %slice3A_390 : vector<1024x128xi32>
    %select_n3A_433 = arith.select %le3A_432, %slice3A_384, %slice3A_390 : vector<1024x128xi1>, vector<1024x128xi32>
    %select_n3A_434 = arith.select %le3A_432, %broadcast_in_dim3A_389, %broadcast_in_dim3A_395 : vector<1024x128xi1>, vector<1024x128xi32>
    %le3A_435 = arith.cmpi sle, %slice3A_396, %slice3A_402 : vector<1024x128xi32>
    %select_n3A_436 = arith.select %le3A_435, %slice3A_396, %slice3A_402 : vector<1024x128xi1>, vector<1024x128xi32>
    %select_n3A_437 = arith.select %le3A_435, %broadcast_in_dim3A_401, %broadcast_in_dim3A_407 : vector<1024x128xi1>, vector<1024x128xi32>
    %le3A_438 = arith.cmpi sle, %slice3A_408, %slice3A_414 : vector<1024x128xi32>
    %select_n3A_439 = arith.select %le3A_438, %slice3A_408, %slice3A_414 : vector<1024x128xi1>, vector<1024x128xi32>
    %select_n3A_440 = arith.select %le3A_438, %broadcast_in_dim3A_413, %broadcast_in_dim3A_419 : vector<1024x128xi1>, vector<1024x128xi32>
    %le3A_441 = arith.cmpi sle, %slice3A_420, %slice3A_426 : vector<1024x128xi32>
    %select_n3A_442 = arith.select %le3A_441, %slice3A_420, %slice3A_426 : vector<1024x128xi1>, vector<1024x128xi32>
    %select_n3A_443 = arith.select %le3A_441, %broadcast_in_dim3A_425, %broadcast_in_dim3A_431 : vector<1024x128xi1>, vector<1024x128xi32>
    %le3A_444 = arith.cmpi sle, %select_n3A_433, %select_n3A_436 : vector<1024x128xi32>
    %select_n3A_445 = arith.select %le3A_444, %select_n3A_433, %select_n3A_436 : vector<1024x128xi1>, vector<1024x128xi32>
    %select_n3A_446 = arith.select %le3A_444, %select_n3A_434, %select_n3A_437 : vector<1024x128xi1>, vector<1024x128xi32>
    %le3A_447 = arith.cmpi sle, %select_n3A_439, %select_n3A_442 : vector<1024x128xi32>
    %select_n3A_448 = arith.select %le3A_447, %select_n3A_439, %select_n3A_442 : vector<1024x128xi1>, vector<1024x128xi32>
    %select_n3A_449 = arith.select %le3A_447, %select_n3A_440, %select_n3A_443 : vector<1024x128xi1>, vector<1024x128xi32>
    %le3A_450 = arith.cmpi sle, %select_n3A_445, %select_n3A_448 : vector<1024x128xi32>
    %select_n3A_451 = arith.select %le3A_450, %select_n3A_445, %select_n3A_448 : vector<1024x128xi1>, vector<1024x128xi32>
    %select_n3A_452 = arith.select %le3A_450, %select_n3A_446, %select_n3A_449 : vector<1024x128xi1>, vector<1024x128xi32>
    %le3A_453 = arith.cmpi sle, %select_n3A_363, %select_n3A_451 : vector<1024x128xi32>
    %select_n3A_454 = arith.select %le3A_453, %select_n3A_363, %select_n3A_451 : vector<1024x128xi1>, vector<1024x128xi32>
    %select_n3A_455 = arith.select %le3A_453, %select_n3A_364, %select_n3A_452 : vector<1024x128xi1>, vector<1024x128xi32>
    %get3A_456 = arith.constant 0 : index
    %get3A_457 = arith.constant 5120 : index
    %get3A_458 = vector.load %arg2[%get3A_456, %get3A_457] : memref<2x16384xf32, #tpu.memory_space<vmem>>, vector<2x1024xf32>
    %slice3A_459 = vector.extract_strided_slice %get3A_458 {offsets = [0, 0], sizes = [1, 1024], strides = [1, 1]} : vector<2x1024xf32> to vector<1x1024xf32>
    %slice3A_460 = vector.extract_strided_slice %get3A_458 {offsets = [1, 0], sizes = [1, 1024], strides = [1, 1]} : vector<2x1024xf32> to vector<1x1024xf32>
    %mul3A_461 = arith.mulf %slice3A_459, %slice3A_459 : vector<1x1024xf32>
    %mul3A_462 = arith.mulf %slice3A_460, %slice3A_460 : vector<1x1024xf32>
    %add3A_463 = arith.addf %mul3A_461, %mul3A_462 : vector<1x1024xf32>
    %convert_element_type3A_464 = arith.truncf %get3A_458 : vector<2x1024xf32> to vector<2x1024xbf16>
    %dot_general3A_465 = arith.constant dense<0.000000e+00> : vector<1024x1024xf32>
    %dot_general3A_466 = tpu.matmul %convert_element_type3A, %convert_element_type3A_464, %dot_general3A_465 {dimension_numbers = #tpu.dot_dimension_numbers<[1], [0], [0], [1], [0, 0, 1, 1], [], []>, transpose_lhs_hint = false} : vector<1024x2xbf16>, vector<2x1024xbf16>, vector<1024x1024xf32> -> vector<1024x1024xf32>
    %add3A_467 = vector.broadcast %add3A : vector<1024x1xf32> to vector<1024x1024xf32>
    %add3A_468 = vector.broadcast %add3A_463 : vector<1x1024xf32> to vector<1024x1024xf32>
    %add3A_469 = arith.addf %add3A_467, %add3A_468 : vector<1024x1024xf32>
    %sub3A_470 = arith.subf %add3A_469, %dot_general3A_466 : vector<1024x1024xf32>
    %bitcast_convert_type3A_471 = tpu.bitcast %sub3A_470 : vector<1024x1024xf32> -> vector<1024x1024xi32>
    %xor3A_472 = arith.constant -2147483648 : i32
    %xor3A_473 = vector.broadcast %xor3A_472 : i32 to vector<1024x1024xi32>
    %xor3A_474 = arith.xori %bitcast_convert_type3A_471, %xor3A_473 : vector<1024x1024xi32>
    %slice3A_475 = vector.extract_strided_slice %xor3A_474 {offsets = [0, 0], sizes = [1024, 128], strides = [1, 1]} : vector<1024x1024xi32> to vector<1024x128xi32>
    %add3A_476 = arith.constant 5120 : i32
    %add3A_477 = vector.broadcast %add3A_476 : i32 to vector<1x128xi32>
    %add3A_478 = arith.addi %iota3A, %add3A_477 : vector<1x128xi32>
    %broadcast_in_dim3A_479 = vector.shape_cast %add3A_478 : vector<1x128xi32> to vector<1x128xi32>
    %broadcast_in_dim3A_480 = vector.broadcast %broadcast_in_dim3A_479 : vector<1x128xi32> to vector<1024x128xi32>
    %slice3A_481 = vector.extract_strided_slice %xor3A_474 {offsets = [0, 128], sizes = [1024, 128], strides = [1, 1]} : vector<1024x1024xi32> to vector<1024x128xi32>
    %add3A_482 = arith.constant 5248 : i32
    %add3A_483 = vector.broadcast %add3A_482 : i32 to vector<1x128xi32>
    %add3A_484 = arith.addi %iota3A, %add3A_483 : vector<1x128xi32>
    %broadcast_in_dim3A_485 = vector.shape_cast %add3A_484 : vector<1x128xi32> to vector<1x128xi32>
    %broadcast_in_dim3A_486 = vector.broadcast %broadcast_in_dim3A_485 : vector<1x128xi32> to vector<1024x128xi32>
    %slice3A_487 = vector.extract_strided_slice %xor3A_474 {offsets = [0, 256], sizes = [1024, 128], strides = [1, 1]} : vector<1024x1024xi32> to vector<1024x128xi32>
    %add3A_488 = arith.constant 5376 : i32
    %add3A_489 = vector.broadcast %add3A_488 : i32 to vector<1x128xi32>
    %add3A_490 = arith.addi %iota3A, %add3A_489 : vector<1x128xi32>
    %broadcast_in_dim3A_491 = vector.shape_cast %add3A_490 : vector<1x128xi32> to vector<1x128xi32>
    %broadcast_in_dim3A_492 = vector.broadcast %broadcast_in_dim3A_491 : vector<1x128xi32> to vector<1024x128xi32>
    %slice3A_493 = vector.extract_strided_slice %xor3A_474 {offsets = [0, 384], sizes = [1024, 128], strides = [1, 1]} : vector<1024x1024xi32> to vector<1024x128xi32>
    %add3A_494 = arith.constant 5504 : i32
    %add3A_495 = vector.broadcast %add3A_494 : i32 to vector<1x128xi32>
    %add3A_496 = arith.addi %iota3A, %add3A_495 : vector<1x128xi32>
    %broadcast_in_dim3A_497 = vector.shape_cast %add3A_496 : vector<1x128xi32> to vector<1x128xi32>
    %broadcast_in_dim3A_498 = vector.broadcast %broadcast_in_dim3A_497 : vector<1x128xi32> to vector<1024x128xi32>
    %slice3A_499 = vector.extract_strided_slice %xor3A_474 {offsets = [0, 512], sizes = [1024, 128], strides = [1, 1]} : vector<1024x1024xi32> to vector<1024x128xi32>
    %add3A_500 = arith.constant 5632 : i32
    %add3A_501 = vector.broadcast %add3A_500 : i32 to vector<1x128xi32>
    %add3A_502 = arith.addi %iota3A, %add3A_501 : vector<1x128xi32>
    %broadcast_in_dim3A_503 = vector.shape_cast %add3A_502 : vector<1x128xi32> to vector<1x128xi32>
    %broadcast_in_dim3A_504 = vector.broadcast %broadcast_in_dim3A_503 : vector<1x128xi32> to vector<1024x128xi32>
    %slice3A_505 = vector.extract_strided_slice %xor3A_474 {offsets = [0, 640], sizes = [1024, 128], strides = [1, 1]} : vector<1024x1024xi32> to vector<1024x128xi32>
    %add3A_506 = arith.constant 5760 : i32
    %add3A_507 = vector.broadcast %add3A_506 : i32 to vector<1x128xi32>
    %add3A_508 = arith.addi %iota3A, %add3A_507 : vector<1x128xi32>
    %broadcast_in_dim3A_509 = vector.shape_cast %add3A_508 : vector<1x128xi32> to vector<1x128xi32>
    %broadcast_in_dim3A_510 = vector.broadcast %broadcast_in_dim3A_509 : vector<1x128xi32> to vector<1024x128xi32>
    %slice3A_511 = vector.extract_strided_slice %xor3A_474 {offsets = [0, 768], sizes = [1024, 128], strides = [1, 1]} : vector<1024x1024xi32> to vector<1024x128xi32>
    %add3A_512 = arith.constant 5888 : i32
    %add3A_513 = vector.broadcast %add3A_512 : i32 to vector<1x128xi32>
    %add3A_514 = arith.addi %iota3A, %add3A_513 : vector<1x128xi32>
    %broadcast_in_dim3A_515 = vector.shape_cast %add3A_514 : vector<1x128xi32> to vector<1x128xi32>
    %broadcast_in_dim3A_516 = vector.broadcast %broadcast_in_dim3A_515 : vector<1x128xi32> to vector<1024x128xi32>
    %slice3A_517 = vector.extract_strided_slice %xor3A_474 {offsets = [0, 896], sizes = [1024, 128], strides = [1, 1]} : vector<1024x1024xi32> to vector<1024x128xi32>
    %add3A_518 = arith.constant 6016 : i32
    %add3A_519 = vector.broadcast %add3A_518 : i32 to vector<1x128xi32>
    %add3A_520 = arith.addi %iota3A, %add3A_519 : vector<1x128xi32>
    %broadcast_in_dim3A_521 = vector.shape_cast %add3A_520 : vector<1x128xi32> to vector<1x128xi32>
    %broadcast_in_dim3A_522 = vector.broadcast %broadcast_in_dim3A_521 : vector<1x128xi32> to vector<1024x128xi32>
    %le3A_523 = arith.cmpi sle, %slice3A_475, %slice3A_481 : vector<1024x128xi32>
    %select_n3A_524 = arith.select %le3A_523, %slice3A_475, %slice3A_481 : vector<1024x128xi1>, vector<1024x128xi32>
    %select_n3A_525 = arith.select %le3A_523, %broadcast_in_dim3A_480, %broadcast_in_dim3A_486 : vector<1024x128xi1>, vector<1024x128xi32>
    %le3A_526 = arith.cmpi sle, %slice3A_487, %slice3A_493 : vector<1024x128xi32>
    %select_n3A_527 = arith.select %le3A_526, %slice3A_487, %slice3A_493 : vector<1024x128xi1>, vector<1024x128xi32>
    %select_n3A_528 = arith.select %le3A_526, %broadcast_in_dim3A_492, %broadcast_in_dim3A_498 : vector<1024x128xi1>, vector<1024x128xi32>
    %le3A_529 = arith.cmpi sle, %slice3A_499, %slice3A_505 : vector<1024x128xi32>
    %select_n3A_530 = arith.select %le3A_529, %slice3A_499, %slice3A_505 : vector<1024x128xi1>, vector<1024x128xi32>
    %select_n3A_531 = arith.select %le3A_529, %broadcast_in_dim3A_504, %broadcast_in_dim3A_510 : vector<1024x128xi1>, vector<1024x128xi32>
    %le3A_532 = arith.cmpi sle, %slice3A_511, %slice3A_517 : vector<1024x128xi32>
    %select_n3A_533 = arith.select %le3A_532, %slice3A_511, %slice3A_517 : vector<1024x128xi1>, vector<1024x128xi32>
    %select_n3A_534 = arith.select %le3A_532, %broadcast_in_dim3A_516, %broadcast_in_dim3A_522 : vector<1024x128xi1>, vector<1024x128xi32>
    %le3A_535 = arith.cmpi sle, %select_n3A_524, %select_n3A_527 : vector<1024x128xi32>
    %select_n3A_536 = arith.select %le3A_535, %select_n3A_524, %select_n3A_527 : vector<1024x128xi1>, vector<1024x128xi32>
    %select_n3A_537 = arith.select %le3A_535, %select_n3A_525, %select_n3A_528 : vector<1024x128xi1>, vector<1024x128xi32>
    %le3A_538 = arith.cmpi sle, %select_n3A_530, %select_n3A_533 : vector<1024x128xi32>
    %select_n3A_539 = arith.select %le3A_538, %select_n3A_530, %select_n3A_533 : vector<1024x128xi1>, vector<1024x128xi32>
    %select_n3A_540 = arith.select %le3A_538, %select_n3A_531, %select_n3A_534 : vector<1024x128xi1>, vector<1024x128xi32>
    %le3A_541 = arith.cmpi sle, %select_n3A_536, %select_n3A_539 : vector<1024x128xi32>
    %select_n3A_542 = arith.select %le3A_541, %select_n3A_536, %select_n3A_539 : vector<1024x128xi1>, vector<1024x128xi32>
    %select_n3A_543 = arith.select %le3A_541, %select_n3A_537, %select_n3A_540 : vector<1024x128xi1>, vector<1024x128xi32>
    %le3A_544 = arith.cmpi sle, %select_n3A_454, %select_n3A_542 : vector<1024x128xi32>
    %select_n3A_545 = arith.select %le3A_544, %select_n3A_454, %select_n3A_542 : vector<1024x128xi1>, vector<1024x128xi32>
    %select_n3A_546 = arith.select %le3A_544, %select_n3A_455, %select_n3A_543 : vector<1024x128xi1>, vector<1024x128xi32>
    %get3A_547 = arith.constant 0 : index
    %get3A_548 = arith.constant 6144 : index
    %get3A_549 = vector.load %arg2[%get3A_547, %get3A_548] : memref<2x16384xf32, #tpu.memory_space<vmem>>, vector<2x1024xf32>
    %slice3A_550 = vector.extract_strided_slice %get3A_549 {offsets = [0, 0], sizes = [1, 1024], strides = [1, 1]} : vector<2x1024xf32> to vector<1x1024xf32>
    %slice3A_551 = vector.extract_strided_slice %get3A_549 {offsets = [1, 0], sizes = [1, 1024], strides = [1, 1]} : vector<2x1024xf32> to vector<1x1024xf32>
    %mul3A_552 = arith.mulf %slice3A_550, %slice3A_550 : vector<1x1024xf32>
    %mul3A_553 = arith.mulf %slice3A_551, %slice3A_551 : vector<1x1024xf32>
    %add3A_554 = arith.addf %mul3A_552, %mul3A_553 : vector<1x1024xf32>
    %convert_element_type3A_555 = arith.truncf %get3A_549 : vector<2x1024xf32> to vector<2x1024xbf16>
    %dot_general3A_556 = arith.constant dense<0.000000e+00> : vector<1024x1024xf32>
    %dot_general3A_557 = tpu.matmul %convert_element_type3A, %convert_element_type3A_555, %dot_general3A_556 {dimension_numbers = #tpu.dot_dimension_numbers<[1], [0], [0], [1], [0, 0, 1, 1], [], []>, transpose_lhs_hint = false} : vector<1024x2xbf16>, vector<2x1024xbf16>, vector<1024x1024xf32> -> vector<1024x1024xf32>
    %add3A_558 = vector.broadcast %add3A : vector<1024x1xf32> to vector<1024x1024xf32>
    %add3A_559 = vector.broadcast %add3A_554 : vector<1x1024xf32> to vector<1024x1024xf32>
    %add3A_560 = arith.addf %add3A_558, %add3A_559 : vector<1024x1024xf32>
    %sub3A_561 = arith.subf %add3A_560, %dot_general3A_557 : vector<1024x1024xf32>
    %bitcast_convert_type3A_562 = tpu.bitcast %sub3A_561 : vector<1024x1024xf32> -> vector<1024x1024xi32>
    %xor3A_563 = arith.constant -2147483648 : i32
    %xor3A_564 = vector.broadcast %xor3A_563 : i32 to vector<1024x1024xi32>
    %xor3A_565 = arith.xori %bitcast_convert_type3A_562, %xor3A_564 : vector<1024x1024xi32>
    %slice3A_566 = vector.extract_strided_slice %xor3A_565 {offsets = [0, 0], sizes = [1024, 128], strides = [1, 1]} : vector<1024x1024xi32> to vector<1024x128xi32>
    %add3A_567 = arith.constant 6144 : i32
    %add3A_568 = vector.broadcast %add3A_567 : i32 to vector<1x128xi32>
    %add3A_569 = arith.addi %iota3A, %add3A_568 : vector<1x128xi32>
    %broadcast_in_dim3A_570 = vector.shape_cast %add3A_569 : vector<1x128xi32> to vector<1x128xi32>
    %broadcast_in_dim3A_571 = vector.broadcast %broadcast_in_dim3A_570 : vector<1x128xi32> to vector<1024x128xi32>
    %slice3A_572 = vector.extract_strided_slice %xor3A_565 {offsets = [0, 128], sizes = [1024, 128], strides = [1, 1]} : vector<1024x1024xi32> to vector<1024x128xi32>
    %add3A_573 = arith.constant 6272 : i32
    %add3A_574 = vector.broadcast %add3A_573 : i32 to vector<1x128xi32>
    %add3A_575 = arith.addi %iota3A, %add3A_574 : vector<1x128xi32>
    %broadcast_in_dim3A_576 = vector.shape_cast %add3A_575 : vector<1x128xi32> to vector<1x128xi32>
    %broadcast_in_dim3A_577 = vector.broadcast %broadcast_in_dim3A_576 : vector<1x128xi32> to vector<1024x128xi32>
    %slice3A_578 = vector.extract_strided_slice %xor3A_565 {offsets = [0, 256], sizes = [1024, 128], strides = [1, 1]} : vector<1024x1024xi32> to vector<1024x128xi32>
    %add3A_579 = arith.constant 6400 : i32
    %add3A_580 = vector.broadcast %add3A_579 : i32 to vector<1x128xi32>
    %add3A_581 = arith.addi %iota3A, %add3A_580 : vector<1x128xi32>
    %broadcast_in_dim3A_582 = vector.shape_cast %add3A_581 : vector<1x128xi32> to vector<1x128xi32>
    %broadcast_in_dim3A_583 = vector.broadcast %broadcast_in_dim3A_582 : vector<1x128xi32> to vector<1024x128xi32>
    %slice3A_584 = vector.extract_strided_slice %xor3A_565 {offsets = [0, 384], sizes = [1024, 128], strides = [1, 1]} : vector<1024x1024xi32> to vector<1024x128xi32>
    %add3A_585 = arith.constant 6528 : i32
    %add3A_586 = vector.broadcast %add3A_585 : i32 to vector<1x128xi32>
    %add3A_587 = arith.addi %iota3A, %add3A_586 : vector<1x128xi32>
    %broadcast_in_dim3A_588 = vector.shape_cast %add3A_587 : vector<1x128xi32> to vector<1x128xi32>
    %broadcast_in_dim3A_589 = vector.broadcast %broadcast_in_dim3A_588 : vector<1x128xi32> to vector<1024x128xi32>
    %slice3A_590 = vector.extract_strided_slice %xor3A_565 {offsets = [0, 512], sizes = [1024, 128], strides = [1, 1]} : vector<1024x1024xi32> to vector<1024x128xi32>
    %add3A_591 = arith.constant 6656 : i32
    %add3A_592 = vector.broadcast %add3A_591 : i32 to vector<1x128xi32>
    %add3A_593 = arith.addi %iota3A, %add3A_592 : vector<1x128xi32>
    %broadcast_in_dim3A_594 = vector.shape_cast %add3A_593 : vector<1x128xi32> to vector<1x128xi32>
    %broadcast_in_dim3A_595 = vector.broadcast %broadcast_in_dim3A_594 : vector<1x128xi32> to vector<1024x128xi32>
    %slice3A_596 = vector.extract_strided_slice %xor3A_565 {offsets = [0, 640], sizes = [1024, 128], strides = [1, 1]} : vector<1024x1024xi32> to vector<1024x128xi32>
    %add3A_597 = arith.constant 6784 : i32
    %add3A_598 = vector.broadcast %add3A_597 : i32 to vector<1x128xi32>
    %add3A_599 = arith.addi %iota3A, %add3A_598 : vector<1x128xi32>
    %broadcast_in_dim3A_600 = vector.shape_cast %add3A_599 : vector<1x128xi32> to vector<1x128xi32>
    %broadcast_in_dim3A_601 = vector.broadcast %broadcast_in_dim3A_600 : vector<1x128xi32> to vector<1024x128xi32>
    %slice3A_602 = vector.extract_strided_slice %xor3A_565 {offsets = [0, 768], sizes = [1024, 128], strides = [1, 1]} : vector<1024x1024xi32> to vector<1024x128xi32>
    %add3A_603 = arith.constant 6912 : i32
    %add3A_604 = vector.broadcast %add3A_603 : i32 to vector<1x128xi32>
    %add3A_605 = arith.addi %iota3A, %add3A_604 : vector<1x128xi32>
    %broadcast_in_dim3A_606 = vector.shape_cast %add3A_605 : vector<1x128xi32> to vector<1x128xi32>
    %broadcast_in_dim3A_607 = vector.broadcast %broadcast_in_dim3A_606 : vector<1x128xi32> to vector<1024x128xi32>
    %slice3A_608 = vector.extract_strided_slice %xor3A_565 {offsets = [0, 896], sizes = [1024, 128], strides = [1, 1]} : vector<1024x1024xi32> to vector<1024x128xi32>
    %add3A_609 = arith.constant 7040 : i32
    %add3A_610 = vector.broadcast %add3A_609 : i32 to vector<1x128xi32>
    %add3A_611 = arith.addi %iota3A, %add3A_610 : vector<1x128xi32>
    %broadcast_in_dim3A_612 = vector.shape_cast %add3A_611 : vector<1x128xi32> to vector<1x128xi32>
    %broadcast_in_dim3A_613 = vector.broadcast %broadcast_in_dim3A_612 : vector<1x128xi32> to vector<1024x128xi32>
    %le3A_614 = arith.cmpi sle, %slice3A_566, %slice3A_572 : vector<1024x128xi32>
    %select_n3A_615 = arith.select %le3A_614, %slice3A_566, %slice3A_572 : vector<1024x128xi1>, vector<1024x128xi32>
    %select_n3A_616 = arith.select %le3A_614, %broadcast_in_dim3A_571, %broadcast_in_dim3A_577 : vector<1024x128xi1>, vector<1024x128xi32>
    %le3A_617 = arith.cmpi sle, %slice3A_578, %slice3A_584 : vector<1024x128xi32>
    %select_n3A_618 = arith.select %le3A_617, %slice3A_578, %slice3A_584 : vector<1024x128xi1>, vector<1024x128xi32>
    %select_n3A_619 = arith.select %le3A_617, %broadcast_in_dim3A_583, %broadcast_in_dim3A_589 : vector<1024x128xi1>, vector<1024x128xi32>
    %le3A_620 = arith.cmpi sle, %slice3A_590, %slice3A_596 : vector<1024x128xi32>
    %select_n3A_621 = arith.select %le3A_620, %slice3A_590, %slice3A_596 : vector<1024x128xi1>, vector<1024x128xi32>
    %select_n3A_622 = arith.select %le3A_620, %broadcast_in_dim3A_595, %broadcast_in_dim3A_601 : vector<1024x128xi1>, vector<1024x128xi32>
    %le3A_623 = arith.cmpi sle, %slice3A_602, %slice3A_608 : vector<1024x128xi32>
    %select_n3A_624 = arith.select %le3A_623, %slice3A_602, %slice3A_608 : vector<1024x128xi1>, vector<1024x128xi32>
    %select_n3A_625 = arith.select %le3A_623, %broadcast_in_dim3A_607, %broadcast_in_dim3A_613 : vector<1024x128xi1>, vector<1024x128xi32>
    %le3A_626 = arith.cmpi sle, %select_n3A_615, %select_n3A_618 : vector<1024x128xi32>
    %select_n3A_627 = arith.select %le3A_626, %select_n3A_615, %select_n3A_618 : vector<1024x128xi1>, vector<1024x128xi32>
    %select_n3A_628 = arith.select %le3A_626, %select_n3A_616, %select_n3A_619 : vector<1024x128xi1>, vector<1024x128xi32>
    %le3A_629 = arith.cmpi sle, %select_n3A_621, %select_n3A_624 : vector<1024x128xi32>
    %select_n3A_630 = arith.select %le3A_629, %select_n3A_621, %select_n3A_624 : vector<1024x128xi1>, vector<1024x128xi32>
    %select_n3A_631 = arith.select %le3A_629, %select_n3A_622, %select_n3A_625 : vector<1024x128xi1>, vector<1024x128xi32>
    %le3A_632 = arith.cmpi sle, %select_n3A_627, %select_n3A_630 : vector<1024x128xi32>
    %select_n3A_633 = arith.select %le3A_632, %select_n3A_627, %select_n3A_630 : vector<1024x128xi1>, vector<1024x128xi32>
    %select_n3A_634 = arith.select %le3A_632, %select_n3A_628, %select_n3A_631 : vector<1024x128xi1>, vector<1024x128xi32>
    %le3A_635 = arith.cmpi sle, %select_n3A_545, %select_n3A_633 : vector<1024x128xi32>
    %select_n3A_636 = arith.select %le3A_635, %select_n3A_545, %select_n3A_633 : vector<1024x128xi1>, vector<1024x128xi32>
    %select_n3A_637 = arith.select %le3A_635, %select_n3A_546, %select_n3A_634 : vector<1024x128xi1>, vector<1024x128xi32>
    %get3A_638 = arith.constant 0 : index
    %get3A_639 = arith.constant 7168 : index
    %get3A_640 = vector.load %arg2[%get3A_638, %get3A_639] : memref<2x16384xf32, #tpu.memory_space<vmem>>, vector<2x1024xf32>
    %slice3A_641 = vector.extract_strided_slice %get3A_640 {offsets = [0, 0], sizes = [1, 1024], strides = [1, 1]} : vector<2x1024xf32> to vector<1x1024xf32>
    %slice3A_642 = vector.extract_strided_slice %get3A_640 {offsets = [1, 0], sizes = [1, 1024], strides = [1, 1]} : vector<2x1024xf32> to vector<1x1024xf32>
    %mul3A_643 = arith.mulf %slice3A_641, %slice3A_641 : vector<1x1024xf32>
    %mul3A_644 = arith.mulf %slice3A_642, %slice3A_642 : vector<1x1024xf32>
    %add3A_645 = arith.addf %mul3A_643, %mul3A_644 : vector<1x1024xf32>
    %convert_element_type3A_646 = arith.truncf %get3A_640 : vector<2x1024xf32> to vector<2x1024xbf16>
    %dot_general3A_647 = arith.constant dense<0.000000e+00> : vector<1024x1024xf32>
    %dot_general3A_648 = tpu.matmul %convert_element_type3A, %convert_element_type3A_646, %dot_general3A_647 {dimension_numbers = #tpu.dot_dimension_numbers<[1], [0], [0], [1], [0, 0, 1, 1], [], []>, transpose_lhs_hint = false} : vector<1024x2xbf16>, vector<2x1024xbf16>, vector<1024x1024xf32> -> vector<1024x1024xf32>
    %add3A_649 = vector.broadcast %add3A : vector<1024x1xf32> to vector<1024x1024xf32>
    %add3A_650 = vector.broadcast %add3A_645 : vector<1x1024xf32> to vector<1024x1024xf32>
    %add3A_651 = arith.addf %add3A_649, %add3A_650 : vector<1024x1024xf32>
    %sub3A_652 = arith.subf %add3A_651, %dot_general3A_648 : vector<1024x1024xf32>
    %bitcast_convert_type3A_653 = tpu.bitcast %sub3A_652 : vector<1024x1024xf32> -> vector<1024x1024xi32>
    %xor3A_654 = arith.constant -2147483648 : i32
    %xor3A_655 = vector.broadcast %xor3A_654 : i32 to vector<1024x1024xi32>
    %xor3A_656 = arith.xori %bitcast_convert_type3A_653, %xor3A_655 : vector<1024x1024xi32>
    %slice3A_657 = vector.extract_strided_slice %xor3A_656 {offsets = [0, 0], sizes = [1024, 128], strides = [1, 1]} : vector<1024x1024xi32> to vector<1024x128xi32>
    %add3A_658 = arith.constant 7168 : i32
    %add3A_659 = vector.broadcast %add3A_658 : i32 to vector<1x128xi32>
    %add3A_660 = arith.addi %iota3A, %add3A_659 : vector<1x128xi32>
    %broadcast_in_dim3A_661 = vector.shape_cast %add3A_660 : vector<1x128xi32> to vector<1x128xi32>
    %broadcast_in_dim3A_662 = vector.broadcast %broadcast_in_dim3A_661 : vector<1x128xi32> to vector<1024x128xi32>
    %slice3A_663 = vector.extract_strided_slice %xor3A_656 {offsets = [0, 128], sizes = [1024, 128], strides = [1, 1]} : vector<1024x1024xi32> to vector<1024x128xi32>
    %add3A_664 = arith.constant 7296 : i32
    %add3A_665 = vector.broadcast %add3A_664 : i32 to vector<1x128xi32>
    %add3A_666 = arith.addi %iota3A, %add3A_665 : vector<1x128xi32>
    %broadcast_in_dim3A_667 = vector.shape_cast %add3A_666 : vector<1x128xi32> to vector<1x128xi32>
    %broadcast_in_dim3A_668 = vector.broadcast %broadcast_in_dim3A_667 : vector<1x128xi32> to vector<1024x128xi32>
    %slice3A_669 = vector.extract_strided_slice %xor3A_656 {offsets = [0, 256], sizes = [1024, 128], strides = [1, 1]} : vector<1024x1024xi32> to vector<1024x128xi32>
    %add3A_670 = arith.constant 7424 : i32
    %add3A_671 = vector.broadcast %add3A_670 : i32 to vector<1x128xi32>
    %add3A_672 = arith.addi %iota3A, %add3A_671 : vector<1x128xi32>
    %broadcast_in_dim3A_673 = vector.shape_cast %add3A_672 : vector<1x128xi32> to vector<1x128xi32>
    %broadcast_in_dim3A_674 = vector.broadcast %broadcast_in_dim3A_673 : vector<1x128xi32> to vector<1024x128xi32>
    %slice3A_675 = vector.extract_strided_slice %xor3A_656 {offsets = [0, 384], sizes = [1024, 128], strides = [1, 1]} : vector<1024x1024xi32> to vector<1024x128xi32>
    %add3A_676 = arith.constant 7552 : i32
    %add3A_677 = vector.broadcast %add3A_676 : i32 to vector<1x128xi32>
    %add3A_678 = arith.addi %iota3A, %add3A_677 : vector<1x128xi32>
    %broadcast_in_dim3A_679 = vector.shape_cast %add3A_678 : vector<1x128xi32> to vector<1x128xi32>
    %broadcast_in_dim3A_680 = vector.broadcast %broadcast_in_dim3A_679 : vector<1x128xi32> to vector<1024x128xi32>
    %slice3A_681 = vector.extract_strided_slice %xor3A_656 {offsets = [0, 512], sizes = [1024, 128], strides = [1, 1]} : vector<1024x1024xi32> to vector<1024x128xi32>
    %add3A_682 = arith.constant 7680 : i32
    %add3A_683 = vector.broadcast %add3A_682 : i32 to vector<1x128xi32>
    %add3A_684 = arith.addi %iota3A, %add3A_683 : vector<1x128xi32>
    %broadcast_in_dim3A_685 = vector.shape_cast %add3A_684 : vector<1x128xi32> to vector<1x128xi32>
    %broadcast_in_dim3A_686 = vector.broadcast %broadcast_in_dim3A_685 : vector<1x128xi32> to vector<1024x128xi32>
    %slice3A_687 = vector.extract_strided_slice %xor3A_656 {offsets = [0, 640], sizes = [1024, 128], strides = [1, 1]} : vector<1024x1024xi32> to vector<1024x128xi32>
    %add3A_688 = arith.constant 7808 : i32
    %add3A_689 = vector.broadcast %add3A_688 : i32 to vector<1x128xi32>
    %add3A_690 = arith.addi %iota3A, %add3A_689 : vector<1x128xi32>
    %broadcast_in_dim3A_691 = vector.shape_cast %add3A_690 : vector<1x128xi32> to vector<1x128xi32>
    %broadcast_in_dim3A_692 = vector.broadcast %broadcast_in_dim3A_691 : vector<1x128xi32> to vector<1024x128xi32>
    %slice3A_693 = vector.extract_strided_slice %xor3A_656 {offsets = [0, 768], sizes = [1024, 128], strides = [1, 1]} : vector<1024x1024xi32> to vector<1024x128xi32>
    %add3A_694 = arith.constant 7936 : i32
    %add3A_695 = vector.broadcast %add3A_694 : i32 to vector<1x128xi32>
    %add3A_696 = arith.addi %iota3A, %add3A_695 : vector<1x128xi32>
    %broadcast_in_dim3A_697 = vector.shape_cast %add3A_696 : vector<1x128xi32> to vector<1x128xi32>
    %broadcast_in_dim3A_698 = vector.broadcast %broadcast_in_dim3A_697 : vector<1x128xi32> to vector<1024x128xi32>
    %slice3A_699 = vector.extract_strided_slice %xor3A_656 {offsets = [0, 896], sizes = [1024, 128], strides = [1, 1]} : vector<1024x1024xi32> to vector<1024x128xi32>
    %add3A_700 = arith.constant 8064 : i32
    %add3A_701 = vector.broadcast %add3A_700 : i32 to vector<1x128xi32>
    %add3A_702 = arith.addi %iota3A, %add3A_701 : vector<1x128xi32>
    %broadcast_in_dim3A_703 = vector.shape_cast %add3A_702 : vector<1x128xi32> to vector<1x128xi32>
    %broadcast_in_dim3A_704 = vector.broadcast %broadcast_in_dim3A_703 : vector<1x128xi32> to vector<1024x128xi32>
    %le3A_705 = arith.cmpi sle, %slice3A_657, %slice3A_663 : vector<1024x128xi32>
    %select_n3A_706 = arith.select %le3A_705, %slice3A_657, %slice3A_663 : vector<1024x128xi1>, vector<1024x128xi32>
    %select_n3A_707 = arith.select %le3A_705, %broadcast_in_dim3A_662, %broadcast_in_dim3A_668 : vector<1024x128xi1>, vector<1024x128xi32>
    %le3A_708 = arith.cmpi sle, %slice3A_669, %slice3A_675 : vector<1024x128xi32>
    %select_n3A_709 = arith.select %le3A_708, %slice3A_669, %slice3A_675 : vector<1024x128xi1>, vector<1024x128xi32>
    %select_n3A_710 = arith.select %le3A_708, %broadcast_in_dim3A_674, %broadcast_in_dim3A_680 : vector<1024x128xi1>, vector<1024x128xi32>
    %le3A_711 = arith.cmpi sle, %slice3A_681, %slice3A_687 : vector<1024x128xi32>
    %select_n3A_712 = arith.select %le3A_711, %slice3A_681, %slice3A_687 : vector<1024x128xi1>, vector<1024x128xi32>
    %select_n3A_713 = arith.select %le3A_711, %broadcast_in_dim3A_686, %broadcast_in_dim3A_692 : vector<1024x128xi1>, vector<1024x128xi32>
    %le3A_714 = arith.cmpi sle, %slice3A_693, %slice3A_699 : vector<1024x128xi32>
    %select_n3A_715 = arith.select %le3A_714, %slice3A_693, %slice3A_699 : vector<1024x128xi1>, vector<1024x128xi32>
    %select_n3A_716 = arith.select %le3A_714, %broadcast_in_dim3A_698, %broadcast_in_dim3A_704 : vector<1024x128xi1>, vector<1024x128xi32>
    %le3A_717 = arith.cmpi sle, %select_n3A_706, %select_n3A_709 : vector<1024x128xi32>
    %select_n3A_718 = arith.select %le3A_717, %select_n3A_706, %select_n3A_709 : vector<1024x128xi1>, vector<1024x128xi32>
    %select_n3A_719 = arith.select %le3A_717, %select_n3A_707, %select_n3A_710 : vector<1024x128xi1>, vector<1024x128xi32>
    %le3A_720 = arith.cmpi sle, %select_n3A_712, %select_n3A_715 : vector<1024x128xi32>
    %select_n3A_721 = arith.select %le3A_720, %select_n3A_712, %select_n3A_715 : vector<1024x128xi1>, vector<1024x128xi32>
    %select_n3A_722 = arith.select %le3A_720, %select_n3A_713, %select_n3A_716 : vector<1024x128xi1>, vector<1024x128xi32>
    %le3A_723 = arith.cmpi sle, %select_n3A_718, %select_n3A_721 : vector<1024x128xi32>
    %select_n3A_724 = arith.select %le3A_723, %select_n3A_718, %select_n3A_721 : vector<1024x128xi1>, vector<1024x128xi32>
    %select_n3A_725 = arith.select %le3A_723, %select_n3A_719, %select_n3A_722 : vector<1024x128xi1>, vector<1024x128xi32>
    %le3A_726 = arith.cmpi sle, %select_n3A_636, %select_n3A_724 : vector<1024x128xi32>
    %select_n3A_727 = arith.select %le3A_726, %select_n3A_636, %select_n3A_724 : vector<1024x128xi1>, vector<1024x128xi32>
    %select_n3A_728 = arith.select %le3A_726, %select_n3A_637, %select_n3A_725 : vector<1024x128xi1>, vector<1024x128xi32>
    %get3A_729 = arith.constant 0 : index
    %get3A_730 = arith.constant 8192 : index
    %get3A_731 = vector.load %arg2[%get3A_729, %get3A_730] : memref<2x16384xf32, #tpu.memory_space<vmem>>, vector<2x1024xf32>
    %slice3A_732 = vector.extract_strided_slice %get3A_731 {offsets = [0, 0], sizes = [1, 1024], strides = [1, 1]} : vector<2x1024xf32> to vector<1x1024xf32>
    %slice3A_733 = vector.extract_strided_slice %get3A_731 {offsets = [1, 0], sizes = [1, 1024], strides = [1, 1]} : vector<2x1024xf32> to vector<1x1024xf32>
    %mul3A_734 = arith.mulf %slice3A_732, %slice3A_732 : vector<1x1024xf32>
    %mul3A_735 = arith.mulf %slice3A_733, %slice3A_733 : vector<1x1024xf32>
    %add3A_736 = arith.addf %mul3A_734, %mul3A_735 : vector<1x1024xf32>
    %convert_element_type3A_737 = arith.truncf %get3A_731 : vector<2x1024xf32> to vector<2x1024xbf16>
    %dot_general3A_738 = arith.constant dense<0.000000e+00> : vector<1024x1024xf32>
    %dot_general3A_739 = tpu.matmul %convert_element_type3A, %convert_element_type3A_737, %dot_general3A_738 {dimension_numbers = #tpu.dot_dimension_numbers<[1], [0], [0], [1], [0, 0, 1, 1], [], []>, transpose_lhs_hint = false} : vector<1024x2xbf16>, vector<2x1024xbf16>, vector<1024x1024xf32> -> vector<1024x1024xf32>
    %add3A_740 = vector.broadcast %add3A : vector<1024x1xf32> to vector<1024x1024xf32>
    %add3A_741 = vector.broadcast %add3A_736 : vector<1x1024xf32> to vector<1024x1024xf32>
    %add3A_742 = arith.addf %add3A_740, %add3A_741 : vector<1024x1024xf32>
    %sub3A_743 = arith.subf %add3A_742, %dot_general3A_739 : vector<1024x1024xf32>
    %bitcast_convert_type3A_744 = tpu.bitcast %sub3A_743 : vector<1024x1024xf32> -> vector<1024x1024xi32>
    %xor3A_745 = arith.constant -2147483648 : i32
    %xor3A_746 = vector.broadcast %xor3A_745 : i32 to vector<1024x1024xi32>
    %xor3A_747 = arith.xori %bitcast_convert_type3A_744, %xor3A_746 : vector<1024x1024xi32>
    %slice3A_748 = vector.extract_strided_slice %xor3A_747 {offsets = [0, 0], sizes = [1024, 128], strides = [1, 1]} : vector<1024x1024xi32> to vector<1024x128xi32>
    %add3A_749 = arith.constant 8192 : i32
    %add3A_750 = vector.broadcast %add3A_749 : i32 to vector<1x128xi32>
    %add3A_751 = arith.addi %iota3A, %add3A_750 : vector<1x128xi32>
    %broadcast_in_dim3A_752 = vector.shape_cast %add3A_751 : vector<1x128xi32> to vector<1x128xi32>
    %broadcast_in_dim3A_753 = vector.broadcast %broadcast_in_dim3A_752 : vector<1x128xi32> to vector<1024x128xi32>
    %slice3A_754 = vector.extract_strided_slice %xor3A_747 {offsets = [0, 128], sizes = [1024, 128], strides = [1, 1]} : vector<1024x1024xi32> to vector<1024x128xi32>
    %add3A_755 = arith.constant 8320 : i32
    %add3A_756 = vector.broadcast %add3A_755 : i32 to vector<1x128xi32>
    %add3A_757 = arith.addi %iota3A, %add3A_756 : vector<1x128xi32>
    %broadcast_in_dim3A_758 = vector.shape_cast %add3A_757 : vector<1x128xi32> to vector<1x128xi32>
    %broadcast_in_dim3A_759 = vector.broadcast %broadcast_in_dim3A_758 : vector<1x128xi32> to vector<1024x128xi32>
    %slice3A_760 = vector.extract_strided_slice %xor3A_747 {offsets = [0, 256], sizes = [1024, 128], strides = [1, 1]} : vector<1024x1024xi32> to vector<1024x128xi32>
    %add3A_761 = arith.constant 8448 : i32
    %add3A_762 = vector.broadcast %add3A_761 : i32 to vector<1x128xi32>
    %add3A_763 = arith.addi %iota3A, %add3A_762 : vector<1x128xi32>
    %broadcast_in_dim3A_764 = vector.shape_cast %add3A_763 : vector<1x128xi32> to vector<1x128xi32>
    %broadcast_in_dim3A_765 = vector.broadcast %broadcast_in_dim3A_764 : vector<1x128xi32> to vector<1024x128xi32>
    %slice3A_766 = vector.extract_strided_slice %xor3A_747 {offsets = [0, 384], sizes = [1024, 128], strides = [1, 1]} : vector<1024x1024xi32> to vector<1024x128xi32>
    %add3A_767 = arith.constant 8576 : i32
    %add3A_768 = vector.broadcast %add3A_767 : i32 to vector<1x128xi32>
    %add3A_769 = arith.addi %iota3A, %add3A_768 : vector<1x128xi32>
    %broadcast_in_dim3A_770 = vector.shape_cast %add3A_769 : vector<1x128xi32> to vector<1x128xi32>
    %broadcast_in_dim3A_771 = vector.broadcast %broadcast_in_dim3A_770 : vector<1x128xi32> to vector<1024x128xi32>
    %slice3A_772 = vector.extract_strided_slice %xor3A_747 {offsets = [0, 512], sizes = [1024, 128], strides = [1, 1]} : vector<1024x1024xi32> to vector<1024x128xi32>
    %add3A_773 = arith.constant 8704 : i32
    %add3A_774 = vector.broadcast %add3A_773 : i32 to vector<1x128xi32>
    %add3A_775 = arith.addi %iota3A, %add3A_774 : vector<1x128xi32>
    %broadcast_in_dim3A_776 = vector.shape_cast %add3A_775 : vector<1x128xi32> to vector<1x128xi32>
    %broadcast_in_dim3A_777 = vector.broadcast %broadcast_in_dim3A_776 : vector<1x128xi32> to vector<1024x128xi32>
    %slice3A_778 = vector.extract_strided_slice %xor3A_747 {offsets = [0, 640], sizes = [1024, 128], strides = [1, 1]} : vector<1024x1024xi32> to vector<1024x128xi32>
    %add3A_779 = arith.constant 8832 : i32
    %add3A_780 = vector.broadcast %add3A_779 : i32 to vector<1x128xi32>
    %add3A_781 = arith.addi %iota3A, %add3A_780 : vector<1x128xi32>
    %broadcast_in_dim3A_782 = vector.shape_cast %add3A_781 : vector<1x128xi32> to vector<1x128xi32>
    %broadcast_in_dim3A_783 = vector.broadcast %broadcast_in_dim3A_782 : vector<1x128xi32> to vector<1024x128xi32>
    %slice3A_784 = vector.extract_strided_slice %xor3A_747 {offsets = [0, 768], sizes = [1024, 128], strides = [1, 1]} : vector<1024x1024xi32> to vector<1024x128xi32>
    %add3A_785 = arith.constant 8960 : i32
    %add3A_786 = vector.broadcast %add3A_785 : i32 to vector<1x128xi32>
    %add3A_787 = arith.addi %iota3A, %add3A_786 : vector<1x128xi32>
    %broadcast_in_dim3A_788 = vector.shape_cast %add3A_787 : vector<1x128xi32> to vector<1x128xi32>
    %broadcast_in_dim3A_789 = vector.broadcast %broadcast_in_dim3A_788 : vector<1x128xi32> to vector<1024x128xi32>
    %slice3A_790 = vector.extract_strided_slice %xor3A_747 {offsets = [0, 896], sizes = [1024, 128], strides = [1, 1]} : vector<1024x1024xi32> to vector<1024x128xi32>
    %add3A_791 = arith.constant 9088 : i32
    %add3A_792 = vector.broadcast %add3A_791 : i32 to vector<1x128xi32>
    %add3A_793 = arith.addi %iota3A, %add3A_792 : vector<1x128xi32>
    %broadcast_in_dim3A_794 = vector.shape_cast %add3A_793 : vector<1x128xi32> to vector<1x128xi32>
    %broadcast_in_dim3A_795 = vector.broadcast %broadcast_in_dim3A_794 : vector<1x128xi32> to vector<1024x128xi32>
    %le3A_796 = arith.cmpi sle, %slice3A_748, %slice3A_754 : vector<1024x128xi32>
    %select_n3A_797 = arith.select %le3A_796, %slice3A_748, %slice3A_754 : vector<1024x128xi1>, vector<1024x128xi32>
    %select_n3A_798 = arith.select %le3A_796, %broadcast_in_dim3A_753, %broadcast_in_dim3A_759 : vector<1024x128xi1>, vector<1024x128xi32>
    %le3A_799 = arith.cmpi sle, %slice3A_760, %slice3A_766 : vector<1024x128xi32>
    %select_n3A_800 = arith.select %le3A_799, %slice3A_760, %slice3A_766 : vector<1024x128xi1>, vector<1024x128xi32>
    %select_n3A_801 = arith.select %le3A_799, %broadcast_in_dim3A_765, %broadcast_in_dim3A_771 : vector<1024x128xi1>, vector<1024x128xi32>
    %le3A_802 = arith.cmpi sle, %slice3A_772, %slice3A_778 : vector<1024x128xi32>
    %select_n3A_803 = arith.select %le3A_802, %slice3A_772, %slice3A_778 : vector<1024x128xi1>, vector<1024x128xi32>
    %select_n3A_804 = arith.select %le3A_802, %broadcast_in_dim3A_777, %broadcast_in_dim3A_783 : vector<1024x128xi1>, vector<1024x128xi32>
    %le3A_805 = arith.cmpi sle, %slice3A_784, %slice3A_790 : vector<1024x128xi32>
    %select_n3A_806 = arith.select %le3A_805, %slice3A_784, %slice3A_790 : vector<1024x128xi1>, vector<1024x128xi32>
    %select_n3A_807 = arith.select %le3A_805, %broadcast_in_dim3A_789, %broadcast_in_dim3A_795 : vector<1024x128xi1>, vector<1024x128xi32>
    %le3A_808 = arith.cmpi sle, %select_n3A_797, %select_n3A_800 : vector<1024x128xi32>
    %select_n3A_809 = arith.select %le3A_808, %select_n3A_797, %select_n3A_800 : vector<1024x128xi1>, vector<1024x128xi32>
    %select_n3A_810 = arith.select %le3A_808, %select_n3A_798, %select_n3A_801 : vector<1024x128xi1>, vector<1024x128xi32>
    %le3A_811 = arith.cmpi sle, %select_n3A_803, %select_n3A_806 : vector<1024x128xi32>
    %select_n3A_812 = arith.select %le3A_811, %select_n3A_803, %select_n3A_806 : vector<1024x128xi1>, vector<1024x128xi32>
    %select_n3A_813 = arith.select %le3A_811, %select_n3A_804, %select_n3A_807 : vector<1024x128xi1>, vector<1024x128xi32>
    %le3A_814 = arith.cmpi sle, %select_n3A_809, %select_n3A_812 : vector<1024x128xi32>
    %select_n3A_815 = arith.select %le3A_814, %select_n3A_809, %select_n3A_812 : vector<1024x128xi1>, vector<1024x128xi32>
    %select_n3A_816 = arith.select %le3A_814, %select_n3A_810, %select_n3A_813 : vector<1024x128xi1>, vector<1024x128xi32>
    %le3A_817 = arith.cmpi sle, %select_n3A_727, %select_n3A_815 : vector<1024x128xi32>
    %select_n3A_818 = arith.select %le3A_817, %select_n3A_727, %select_n3A_815 : vector<1024x128xi1>, vector<1024x128xi32>
    %select_n3A_819 = arith.select %le3A_817, %select_n3A_728, %select_n3A_816 : vector<1024x128xi1>, vector<1024x128xi32>
    %get3A_820 = arith.constant 0 : index
    %get3A_821 = arith.constant 9216 : index
    %get3A_822 = vector.load %arg2[%get3A_820, %get3A_821] : memref<2x16384xf32, #tpu.memory_space<vmem>>, vector<2x1024xf32>
    %slice3A_823 = vector.extract_strided_slice %get3A_822 {offsets = [0, 0], sizes = [1, 1024], strides = [1, 1]} : vector<2x1024xf32> to vector<1x1024xf32>
    %slice3A_824 = vector.extract_strided_slice %get3A_822 {offsets = [1, 0], sizes = [1, 1024], strides = [1, 1]} : vector<2x1024xf32> to vector<1x1024xf32>
    %mul3A_825 = arith.mulf %slice3A_823, %slice3A_823 : vector<1x1024xf32>
    %mul3A_826 = arith.mulf %slice3A_824, %slice3A_824 : vector<1x1024xf32>
    %add3A_827 = arith.addf %mul3A_825, %mul3A_826 : vector<1x1024xf32>
    %convert_element_type3A_828 = arith.truncf %get3A_822 : vector<2x1024xf32> to vector<2x1024xbf16>
    %dot_general3A_829 = arith.constant dense<0.000000e+00> : vector<1024x1024xf32>
    %dot_general3A_830 = tpu.matmul %convert_element_type3A, %convert_element_type3A_828, %dot_general3A_829 {dimension_numbers = #tpu.dot_dimension_numbers<[1], [0], [0], [1], [0, 0, 1, 1], [], []>, transpose_lhs_hint = false} : vector<1024x2xbf16>, vector<2x1024xbf16>, vector<1024x1024xf32> -> vector<1024x1024xf32>
    %add3A_831 = vector.broadcast %add3A : vector<1024x1xf32> to vector<1024x1024xf32>
    %add3A_832 = vector.broadcast %add3A_827 : vector<1x1024xf32> to vector<1024x1024xf32>
    %add3A_833 = arith.addf %add3A_831, %add3A_832 : vector<1024x1024xf32>
    %sub3A_834 = arith.subf %add3A_833, %dot_general3A_830 : vector<1024x1024xf32>
    %bitcast_convert_type3A_835 = tpu.bitcast %sub3A_834 : vector<1024x1024xf32> -> vector<1024x1024xi32>
    %xor3A_836 = arith.constant -2147483648 : i32
    %xor3A_837 = vector.broadcast %xor3A_836 : i32 to vector<1024x1024xi32>
    %xor3A_838 = arith.xori %bitcast_convert_type3A_835, %xor3A_837 : vector<1024x1024xi32>
    %slice3A_839 = vector.extract_strided_slice %xor3A_838 {offsets = [0, 0], sizes = [1024, 128], strides = [1, 1]} : vector<1024x1024xi32> to vector<1024x128xi32>
    %add3A_840 = arith.constant 9216 : i32
    %add3A_841 = vector.broadcast %add3A_840 : i32 to vector<1x128xi32>
    %add3A_842 = arith.addi %iota3A, %add3A_841 : vector<1x128xi32>
    %broadcast_in_dim3A_843 = vector.shape_cast %add3A_842 : vector<1x128xi32> to vector<1x128xi32>
    %broadcast_in_dim3A_844 = vector.broadcast %broadcast_in_dim3A_843 : vector<1x128xi32> to vector<1024x128xi32>
    %slice3A_845 = vector.extract_strided_slice %xor3A_838 {offsets = [0, 128], sizes = [1024, 128], strides = [1, 1]} : vector<1024x1024xi32> to vector<1024x128xi32>
    %add3A_846 = arith.constant 9344 : i32
    %add3A_847 = vector.broadcast %add3A_846 : i32 to vector<1x128xi32>
    %add3A_848 = arith.addi %iota3A, %add3A_847 : vector<1x128xi32>
    %broadcast_in_dim3A_849 = vector.shape_cast %add3A_848 : vector<1x128xi32> to vector<1x128xi32>
    %broadcast_in_dim3A_850 = vector.broadcast %broadcast_in_dim3A_849 : vector<1x128xi32> to vector<1024x128xi32>
    %slice3A_851 = vector.extract_strided_slice %xor3A_838 {offsets = [0, 256], sizes = [1024, 128], strides = [1, 1]} : vector<1024x1024xi32> to vector<1024x128xi32>
    %add3A_852 = arith.constant 9472 : i32
    %add3A_853 = vector.broadcast %add3A_852 : i32 to vector<1x128xi32>
    %add3A_854 = arith.addi %iota3A, %add3A_853 : vector<1x128xi32>
    %broadcast_in_dim3A_855 = vector.shape_cast %add3A_854 : vector<1x128xi32> to vector<1x128xi32>
    %broadcast_in_dim3A_856 = vector.broadcast %broadcast_in_dim3A_855 : vector<1x128xi32> to vector<1024x128xi32>
    %slice3A_857 = vector.extract_strided_slice %xor3A_838 {offsets = [0, 384], sizes = [1024, 128], strides = [1, 1]} : vector<1024x1024xi32> to vector<1024x128xi32>
    %add3A_858 = arith.constant 9600 : i32
    %add3A_859 = vector.broadcast %add3A_858 : i32 to vector<1x128xi32>
    %add3A_860 = arith.addi %iota3A, %add3A_859 : vector<1x128xi32>
    %broadcast_in_dim3A_861 = vector.shape_cast %add3A_860 : vector<1x128xi32> to vector<1x128xi32>
    %broadcast_in_dim3A_862 = vector.broadcast %broadcast_in_dim3A_861 : vector<1x128xi32> to vector<1024x128xi32>
    %slice3A_863 = vector.extract_strided_slice %xor3A_838 {offsets = [0, 512], sizes = [1024, 128], strides = [1, 1]} : vector<1024x1024xi32> to vector<1024x128xi32>
    %add3A_864 = arith.constant 9728 : i32
    %add3A_865 = vector.broadcast %add3A_864 : i32 to vector<1x128xi32>
    %add3A_866 = arith.addi %iota3A, %add3A_865 : vector<1x128xi32>
    %broadcast_in_dim3A_867 = vector.shape_cast %add3A_866 : vector<1x128xi32> to vector<1x128xi32>
    %broadcast_in_dim3A_868 = vector.broadcast %broadcast_in_dim3A_867 : vector<1x128xi32> to vector<1024x128xi32>
    %slice3A_869 = vector.extract_strided_slice %xor3A_838 {offsets = [0, 640], sizes = [1024, 128], strides = [1, 1]} : vector<1024x1024xi32> to vector<1024x128xi32>
    %add3A_870 = arith.constant 9856 : i32
    %add3A_871 = vector.broadcast %add3A_870 : i32 to vector<1x128xi32>
    %add3A_872 = arith.addi %iota3A, %add3A_871 : vector<1x128xi32>
    %broadcast_in_dim3A_873 = vector.shape_cast %add3A_872 : vector<1x128xi32> to vector<1x128xi32>
    %broadcast_in_dim3A_874 = vector.broadcast %broadcast_in_dim3A_873 : vector<1x128xi32> to vector<1024x128xi32>
    %slice3A_875 = vector.extract_strided_slice %xor3A_838 {offsets = [0, 768], sizes = [1024, 128], strides = [1, 1]} : vector<1024x1024xi32> to vector<1024x128xi32>
    %add3A_876 = arith.constant 9984 : i32
    %add3A_877 = vector.broadcast %add3A_876 : i32 to vector<1x128xi32>
    %add3A_878 = arith.addi %iota3A, %add3A_877 : vector<1x128xi32>
    %broadcast_in_dim3A_879 = vector.shape_cast %add3A_878 : vector<1x128xi32> to vector<1x128xi32>
    %broadcast_in_dim3A_880 = vector.broadcast %broadcast_in_dim3A_879 : vector<1x128xi32> to vector<1024x128xi32>
    %slice3A_881 = vector.extract_strided_slice %xor3A_838 {offsets = [0, 896], sizes = [1024, 128], strides = [1, 1]} : vector<1024x1024xi32> to vector<1024x128xi32>
    %add3A_882 = arith.constant 10112 : i32
    %add3A_883 = vector.broadcast %add3A_882 : i32 to vector<1x128xi32>
    %add3A_884 = arith.addi %iota3A, %add3A_883 : vector<1x128xi32>
    %broadcast_in_dim3A_885 = vector.shape_cast %add3A_884 : vector<1x128xi32> to vector<1x128xi32>
    %broadcast_in_dim3A_886 = vector.broadcast %broadcast_in_dim3A_885 : vector<1x128xi32> to vector<1024x128xi32>
    %le3A_887 = arith.cmpi sle, %slice3A_839, %slice3A_845 : vector<1024x128xi32>
    %select_n3A_888 = arith.select %le3A_887, %slice3A_839, %slice3A_845 : vector<1024x128xi1>, vector<1024x128xi32>
    %select_n3A_889 = arith.select %le3A_887, %broadcast_in_dim3A_844, %broadcast_in_dim3A_850 : vector<1024x128xi1>, vector<1024x128xi32>
    %le3A_890 = arith.cmpi sle, %slice3A_851, %slice3A_857 : vector<1024x128xi32>
    %select_n3A_891 = arith.select %le3A_890, %slice3A_851, %slice3A_857 : vector<1024x128xi1>, vector<1024x128xi32>
    %select_n3A_892 = arith.select %le3A_890, %broadcast_in_dim3A_856, %broadcast_in_dim3A_862 : vector<1024x128xi1>, vector<1024x128xi32>
    %le3A_893 = arith.cmpi sle, %slice3A_863, %slice3A_869 : vector<1024x128xi32>
    %select_n3A_894 = arith.select %le3A_893, %slice3A_863, %slice3A_869 : vector<1024x128xi1>, vector<1024x128xi32>
    %select_n3A_895 = arith.select %le3A_893, %broadcast_in_dim3A_868, %broadcast_in_dim3A_874 : vector<1024x128xi1>, vector<1024x128xi32>
    %le3A_896 = arith.cmpi sle, %slice3A_875, %slice3A_881 : vector<1024x128xi32>
    %select_n3A_897 = arith.select %le3A_896, %slice3A_875, %slice3A_881 : vector<1024x128xi1>, vector<1024x128xi32>
    %select_n3A_898 = arith.select %le3A_896, %broadcast_in_dim3A_880, %broadcast_in_dim3A_886 : vector<1024x128xi1>, vector<1024x128xi32>
    %le3A_899 = arith.cmpi sle, %select_n3A_888, %select_n3A_891 : vector<1024x128xi32>
    %select_n3A_900 = arith.select %le3A_899, %select_n3A_888, %select_n3A_891 : vector<1024x128xi1>, vector<1024x128xi32>
    %select_n3A_901 = arith.select %le3A_899, %select_n3A_889, %select_n3A_892 : vector<1024x128xi1>, vector<1024x128xi32>
    %le3A_902 = arith.cmpi sle, %select_n3A_894, %select_n3A_897 : vector<1024x128xi32>
    %select_n3A_903 = arith.select %le3A_902, %select_n3A_894, %select_n3A_897 : vector<1024x128xi1>, vector<1024x128xi32>
    %select_n3A_904 = arith.select %le3A_902, %select_n3A_895, %select_n3A_898 : vector<1024x128xi1>, vector<1024x128xi32>
    %le3A_905 = arith.cmpi sle, %select_n3A_900, %select_n3A_903 : vector<1024x128xi32>
    %select_n3A_906 = arith.select %le3A_905, %select_n3A_900, %select_n3A_903 : vector<1024x128xi1>, vector<1024x128xi32>
    %select_n3A_907 = arith.select %le3A_905, %select_n3A_901, %select_n3A_904 : vector<1024x128xi1>, vector<1024x128xi32>
    %le3A_908 = arith.cmpi sle, %select_n3A_818, %select_n3A_906 : vector<1024x128xi32>
    %select_n3A_909 = arith.select %le3A_908, %select_n3A_818, %select_n3A_906 : vector<1024x128xi1>, vector<1024x128xi32>
    %select_n3A_910 = arith.select %le3A_908, %select_n3A_819, %select_n3A_907 : vector<1024x128xi1>, vector<1024x128xi32>
    %get3A_911 = arith.constant 0 : index
    %get3A_912 = arith.constant 10240 : index
    %get3A_913 = vector.load %arg2[%get3A_911, %get3A_912] : memref<2x16384xf32, #tpu.memory_space<vmem>>, vector<2x1024xf32>
    %slice3A_914 = vector.extract_strided_slice %get3A_913 {offsets = [0, 0], sizes = [1, 1024], strides = [1, 1]} : vector<2x1024xf32> to vector<1x1024xf32>
    %slice3A_915 = vector.extract_strided_slice %get3A_913 {offsets = [1, 0], sizes = [1, 1024], strides = [1, 1]} : vector<2x1024xf32> to vector<1x1024xf32>
    %mul3A_916 = arith.mulf %slice3A_914, %slice3A_914 : vector<1x1024xf32>
    %mul3A_917 = arith.mulf %slice3A_915, %slice3A_915 : vector<1x1024xf32>
    %add3A_918 = arith.addf %mul3A_916, %mul3A_917 : vector<1x1024xf32>
    %convert_element_type3A_919 = arith.truncf %get3A_913 : vector<2x1024xf32> to vector<2x1024xbf16>
    %dot_general3A_920 = arith.constant dense<0.000000e+00> : vector<1024x1024xf32>
    %dot_general3A_921 = tpu.matmul %convert_element_type3A, %convert_element_type3A_919, %dot_general3A_920 {dimension_numbers = #tpu.dot_dimension_numbers<[1], [0], [0], [1], [0, 0, 1, 1], [], []>, transpose_lhs_hint = false} : vector<1024x2xbf16>, vector<2x1024xbf16>, vector<1024x1024xf32> -> vector<1024x1024xf32>
    %add3A_922 = vector.broadcast %add3A : vector<1024x1xf32> to vector<1024x1024xf32>
    %add3A_923 = vector.broadcast %add3A_918 : vector<1x1024xf32> to vector<1024x1024xf32>
    %add3A_924 = arith.addf %add3A_922, %add3A_923 : vector<1024x1024xf32>
    %sub3A_925 = arith.subf %add3A_924, %dot_general3A_921 : vector<1024x1024xf32>
    %bitcast_convert_type3A_926 = tpu.bitcast %sub3A_925 : vector<1024x1024xf32> -> vector<1024x1024xi32>
    %xor3A_927 = arith.constant -2147483648 : i32
    %xor3A_928 = vector.broadcast %xor3A_927 : i32 to vector<1024x1024xi32>
    %xor3A_929 = arith.xori %bitcast_convert_type3A_926, %xor3A_928 : vector<1024x1024xi32>
    %slice3A_930 = vector.extract_strided_slice %xor3A_929 {offsets = [0, 0], sizes = [1024, 128], strides = [1, 1]} : vector<1024x1024xi32> to vector<1024x128xi32>
    %add3A_931 = arith.constant 10240 : i32
    %add3A_932 = vector.broadcast %add3A_931 : i32 to vector<1x128xi32>
    %add3A_933 = arith.addi %iota3A, %add3A_932 : vector<1x128xi32>
    %broadcast_in_dim3A_934 = vector.shape_cast %add3A_933 : vector<1x128xi32> to vector<1x128xi32>
    %broadcast_in_dim3A_935 = vector.broadcast %broadcast_in_dim3A_934 : vector<1x128xi32> to vector<1024x128xi32>
    %slice3A_936 = vector.extract_strided_slice %xor3A_929 {offsets = [0, 128], sizes = [1024, 128], strides = [1, 1]} : vector<1024x1024xi32> to vector<1024x128xi32>
    %add3A_937 = arith.constant 10368 : i32
    %add3A_938 = vector.broadcast %add3A_937 : i32 to vector<1x128xi32>
    %add3A_939 = arith.addi %iota3A, %add3A_938 : vector<1x128xi32>
    %broadcast_in_dim3A_940 = vector.shape_cast %add3A_939 : vector<1x128xi32> to vector<1x128xi32>
    %broadcast_in_dim3A_941 = vector.broadcast %broadcast_in_dim3A_940 : vector<1x128xi32> to vector<1024x128xi32>
    %slice3A_942 = vector.extract_strided_slice %xor3A_929 {offsets = [0, 256], sizes = [1024, 128], strides = [1, 1]} : vector<1024x1024xi32> to vector<1024x128xi32>
    %add3A_943 = arith.constant 10496 : i32
    %add3A_944 = vector.broadcast %add3A_943 : i32 to vector<1x128xi32>
    %add3A_945 = arith.addi %iota3A, %add3A_944 : vector<1x128xi32>
    %broadcast_in_dim3A_946 = vector.shape_cast %add3A_945 : vector<1x128xi32> to vector<1x128xi32>
    %broadcast_in_dim3A_947 = vector.broadcast %broadcast_in_dim3A_946 : vector<1x128xi32> to vector<1024x128xi32>
    %slice3A_948 = vector.extract_strided_slice %xor3A_929 {offsets = [0, 384], sizes = [1024, 128], strides = [1, 1]} : vector<1024x1024xi32> to vector<1024x128xi32>
    %add3A_949 = arith.constant 10624 : i32
    %add3A_950 = vector.broadcast %add3A_949 : i32 to vector<1x128xi32>
    %add3A_951 = arith.addi %iota3A, %add3A_950 : vector<1x128xi32>
    %broadcast_in_dim3A_952 = vector.shape_cast %add3A_951 : vector<1x128xi32> to vector<1x128xi32>
    %broadcast_in_dim3A_953 = vector.broadcast %broadcast_in_dim3A_952 : vector<1x128xi32> to vector<1024x128xi32>
    %slice3A_954 = vector.extract_strided_slice %xor3A_929 {offsets = [0, 512], sizes = [1024, 128], strides = [1, 1]} : vector<1024x1024xi32> to vector<1024x128xi32>
    %add3A_955 = arith.constant 10752 : i32
    %add3A_956 = vector.broadcast %add3A_955 : i32 to vector<1x128xi32>
    %add3A_957 = arith.addi %iota3A, %add3A_956 : vector<1x128xi32>
    %broadcast_in_dim3A_958 = vector.shape_cast %add3A_957 : vector<1x128xi32> to vector<1x128xi32>
    %broadcast_in_dim3A_959 = vector.broadcast %broadcast_in_dim3A_958 : vector<1x128xi32> to vector<1024x128xi32>
    %slice3A_960 = vector.extract_strided_slice %xor3A_929 {offsets = [0, 640], sizes = [1024, 128], strides = [1, 1]} : vector<1024x1024xi32> to vector<1024x128xi32>
    %add3A_961 = arith.constant 10880 : i32
    %add3A_962 = vector.broadcast %add3A_961 : i32 to vector<1x128xi32>
    %add3A_963 = arith.addi %iota3A, %add3A_962 : vector<1x128xi32>
    %broadcast_in_dim3A_964 = vector.shape_cast %add3A_963 : vector<1x128xi32> to vector<1x128xi32>
    %broadcast_in_dim3A_965 = vector.broadcast %broadcast_in_dim3A_964 : vector<1x128xi32> to vector<1024x128xi32>
    %slice3A_966 = vector.extract_strided_slice %xor3A_929 {offsets = [0, 768], sizes = [1024, 128], strides = [1, 1]} : vector<1024x1024xi32> to vector<1024x128xi32>
    %add3A_967 = arith.constant 11008 : i32
    %add3A_968 = vector.broadcast %add3A_967 : i32 to vector<1x128xi32>
    %add3A_969 = arith.addi %iota3A, %add3A_968 : vector<1x128xi32>
    %broadcast_in_dim3A_970 = vector.shape_cast %add3A_969 : vector<1x128xi32> to vector<1x128xi32>
    %broadcast_in_dim3A_971 = vector.broadcast %broadcast_in_dim3A_970 : vector<1x128xi32> to vector<1024x128xi32>
    %slice3A_972 = vector.extract_strided_slice %xor3A_929 {offsets = [0, 896], sizes = [1024, 128], strides = [1, 1]} : vector<1024x1024xi32> to vector<1024x128xi32>
    %add3A_973 = arith.constant 11136 : i32
    %add3A_974 = vector.broadcast %add3A_973 : i32 to vector<1x128xi32>
    %add3A_975 = arith.addi %iota3A, %add3A_974 : vector<1x128xi32>
    %broadcast_in_dim3A_976 = vector.shape_cast %add3A_975 : vector<1x128xi32> to vector<1x128xi32>
    %broadcast_in_dim3A_977 = vector.broadcast %broadcast_in_dim3A_976 : vector<1x128xi32> to vector<1024x128xi32>
    %le3A_978 = arith.cmpi sle, %slice3A_930, %slice3A_936 : vector<1024x128xi32>
    %select_n3A_979 = arith.select %le3A_978, %slice3A_930, %slice3A_936 : vector<1024x128xi1>, vector<1024x128xi32>
    %select_n3A_980 = arith.select %le3A_978, %broadcast_in_dim3A_935, %broadcast_in_dim3A_941 : vector<1024x128xi1>, vector<1024x128xi32>
    %le3A_981 = arith.cmpi sle, %slice3A_942, %slice3A_948 : vector<1024x128xi32>
    %select_n3A_982 = arith.select %le3A_981, %slice3A_942, %slice3A_948 : vector<1024x128xi1>, vector<1024x128xi32>
    %select_n3A_983 = arith.select %le3A_981, %broadcast_in_dim3A_947, %broadcast_in_dim3A_953 : vector<1024x128xi1>, vector<1024x128xi32>
    %le3A_984 = arith.cmpi sle, %slice3A_954, %slice3A_960 : vector<1024x128xi32>
    %select_n3A_985 = arith.select %le3A_984, %slice3A_954, %slice3A_960 : vector<1024x128xi1>, vector<1024x128xi32>
    %select_n3A_986 = arith.select %le3A_984, %broadcast_in_dim3A_959, %broadcast_in_dim3A_965 : vector<1024x128xi1>, vector<1024x128xi32>
    %le3A_987 = arith.cmpi sle, %slice3A_966, %slice3A_972 : vector<1024x128xi32>
    %select_n3A_988 = arith.select %le3A_987, %slice3A_966, %slice3A_972 : vector<1024x128xi1>, vector<1024x128xi32>
    %select_n3A_989 = arith.select %le3A_987, %broadcast_in_dim3A_971, %broadcast_in_dim3A_977 : vector<1024x128xi1>, vector<1024x128xi32>
    %le3A_990 = arith.cmpi sle, %select_n3A_979, %select_n3A_982 : vector<1024x128xi32>
    %select_n3A_991 = arith.select %le3A_990, %select_n3A_979, %select_n3A_982 : vector<1024x128xi1>, vector<1024x128xi32>
    %select_n3A_992 = arith.select %le3A_990, %select_n3A_980, %select_n3A_983 : vector<1024x128xi1>, vector<1024x128xi32>
    %le3A_993 = arith.cmpi sle, %select_n3A_985, %select_n3A_988 : vector<1024x128xi32>
    %select_n3A_994 = arith.select %le3A_993, %select_n3A_985, %select_n3A_988 : vector<1024x128xi1>, vector<1024x128xi32>
    %select_n3A_995 = arith.select %le3A_993, %select_n3A_986, %select_n3A_989 : vector<1024x128xi1>, vector<1024x128xi32>
    %le3A_996 = arith.cmpi sle, %select_n3A_991, %select_n3A_994 : vector<1024x128xi32>
    %select_n3A_997 = arith.select %le3A_996, %select_n3A_991, %select_n3A_994 : vector<1024x128xi1>, vector<1024x128xi32>
    %select_n3A_998 = arith.select %le3A_996, %select_n3A_992, %select_n3A_995 : vector<1024x128xi1>, vector<1024x128xi32>
    %le3A_999 = arith.cmpi sle, %select_n3A_909, %select_n3A_997 : vector<1024x128xi32>
    %select_n3A_1000 = arith.select %le3A_999, %select_n3A_909, %select_n3A_997 : vector<1024x128xi1>, vector<1024x128xi32>
    %select_n3A_1001 = arith.select %le3A_999, %select_n3A_910, %select_n3A_998 : vector<1024x128xi1>, vector<1024x128xi32>
    %get3A_1002 = arith.constant 0 : index
    %get3A_1003 = arith.constant 11264 : index
    %get3A_1004 = vector.load %arg2[%get3A_1002, %get3A_1003] : memref<2x16384xf32, #tpu.memory_space<vmem>>, vector<2x1024xf32>
    %slice3A_1005 = vector.extract_strided_slice %get3A_1004 {offsets = [0, 0], sizes = [1, 1024], strides = [1, 1]} : vector<2x1024xf32> to vector<1x1024xf32>
    %slice3A_1006 = vector.extract_strided_slice %get3A_1004 {offsets = [1, 0], sizes = [1, 1024], strides = [1, 1]} : vector<2x1024xf32> to vector<1x1024xf32>
    %mul3A_1007 = arith.mulf %slice3A_1005, %slice3A_1005 : vector<1x1024xf32>
    %mul3A_1008 = arith.mulf %slice3A_1006, %slice3A_1006 : vector<1x1024xf32>
    %add3A_1009 = arith.addf %mul3A_1007, %mul3A_1008 : vector<1x1024xf32>
    %convert_element_type3A_1010 = arith.truncf %get3A_1004 : vector<2x1024xf32> to vector<2x1024xbf16>
    %dot_general3A_1011 = arith.constant dense<0.000000e+00> : vector<1024x1024xf32>
    %dot_general3A_1012 = tpu.matmul %convert_element_type3A, %convert_element_type3A_1010, %dot_general3A_1011 {dimension_numbers = #tpu.dot_dimension_numbers<[1], [0], [0], [1], [0, 0, 1, 1], [], []>, transpose_lhs_hint = false} : vector<1024x2xbf16>, vector<2x1024xbf16>, vector<1024x1024xf32> -> vector<1024x1024xf32>
    %add3A_1013 = vector.broadcast %add3A : vector<1024x1xf32> to vector<1024x1024xf32>
    %add3A_1014 = vector.broadcast %add3A_1009 : vector<1x1024xf32> to vector<1024x1024xf32>
    %add3A_1015 = arith.addf %add3A_1013, %add3A_1014 : vector<1024x1024xf32>
    %sub3A_1016 = arith.subf %add3A_1015, %dot_general3A_1012 : vector<1024x1024xf32>
    %bitcast_convert_type3A_1017 = tpu.bitcast %sub3A_1016 : vector<1024x1024xf32> -> vector<1024x1024xi32>
    %xor3A_1018 = arith.constant -2147483648 : i32
    %xor3A_1019 = vector.broadcast %xor3A_1018 : i32 to vector<1024x1024xi32>
    %xor3A_1020 = arith.xori %bitcast_convert_type3A_1017, %xor3A_1019 : vector<1024x1024xi32>
    %slice3A_1021 = vector.extract_strided_slice %xor3A_1020 {offsets = [0, 0], sizes = [1024, 128], strides = [1, 1]} : vector<1024x1024xi32> to vector<1024x128xi32>
    %add3A_1022 = arith.constant 11264 : i32
    %add3A_1023 = vector.broadcast %add3A_1022 : i32 to vector<1x128xi32>
    %add3A_1024 = arith.addi %iota3A, %add3A_1023 : vector<1x128xi32>
    %broadcast_in_dim3A_1025 = vector.shape_cast %add3A_1024 : vector<1x128xi32> to vector<1x128xi32>
    %broadcast_in_dim3A_1026 = vector.broadcast %broadcast_in_dim3A_1025 : vector<1x128xi32> to vector<1024x128xi32>
    %slice3A_1027 = vector.extract_strided_slice %xor3A_1020 {offsets = [0, 128], sizes = [1024, 128], strides = [1, 1]} : vector<1024x1024xi32> to vector<1024x128xi32>
    %add3A_1028 = arith.constant 11392 : i32
    %add3A_1029 = vector.broadcast %add3A_1028 : i32 to vector<1x128xi32>
    %add3A_1030 = arith.addi %iota3A, %add3A_1029 : vector<1x128xi32>
    %broadcast_in_dim3A_1031 = vector.shape_cast %add3A_1030 : vector<1x128xi32> to vector<1x128xi32>
    %broadcast_in_dim3A_1032 = vector.broadcast %broadcast_in_dim3A_1031 : vector<1x128xi32> to vector<1024x128xi32>
    %slice3A_1033 = vector.extract_strided_slice %xor3A_1020 {offsets = [0, 256], sizes = [1024, 128], strides = [1, 1]} : vector<1024x1024xi32> to vector<1024x128xi32>
    %add3A_1034 = arith.constant 11520 : i32
    %add3A_1035 = vector.broadcast %add3A_1034 : i32 to vector<1x128xi32>
    %add3A_1036 = arith.addi %iota3A, %add3A_1035 : vector<1x128xi32>
    %broadcast_in_dim3A_1037 = vector.shape_cast %add3A_1036 : vector<1x128xi32> to vector<1x128xi32>
    %broadcast_in_dim3A_1038 = vector.broadcast %broadcast_in_dim3A_1037 : vector<1x128xi32> to vector<1024x128xi32>
    %slice3A_1039 = vector.extract_strided_slice %xor3A_1020 {offsets = [0, 384], sizes = [1024, 128], strides = [1, 1]} : vector<1024x1024xi32> to vector<1024x128xi32>
    %add3A_1040 = arith.constant 11648 : i32
    %add3A_1041 = vector.broadcast %add3A_1040 : i32 to vector<1x128xi32>
    %add3A_1042 = arith.addi %iota3A, %add3A_1041 : vector<1x128xi32>
    %broadcast_in_dim3A_1043 = vector.shape_cast %add3A_1042 : vector<1x128xi32> to vector<1x128xi32>
    %broadcast_in_dim3A_1044 = vector.broadcast %broadcast_in_dim3A_1043 : vector<1x128xi32> to vector<1024x128xi32>
    %slice3A_1045 = vector.extract_strided_slice %xor3A_1020 {offsets = [0, 512], sizes = [1024, 128], strides = [1, 1]} : vector<1024x1024xi32> to vector<1024x128xi32>
    %add3A_1046 = arith.constant 11776 : i32
    %add3A_1047 = vector.broadcast %add3A_1046 : i32 to vector<1x128xi32>
    %add3A_1048 = arith.addi %iota3A, %add3A_1047 : vector<1x128xi32>
    %broadcast_in_dim3A_1049 = vector.shape_cast %add3A_1048 : vector<1x128xi32> to vector<1x128xi32>
    %broadcast_in_dim3A_1050 = vector.broadcast %broadcast_in_dim3A_1049 : vector<1x128xi32> to vector<1024x128xi32>
    %slice3A_1051 = vector.extract_strided_slice %xor3A_1020 {offsets = [0, 640], sizes = [1024, 128], strides = [1, 1]} : vector<1024x1024xi32> to vector<1024x128xi32>
    %add3A_1052 = arith.constant 11904 : i32
    %add3A_1053 = vector.broadcast %add3A_1052 : i32 to vector<1x128xi32>
    %add3A_1054 = arith.addi %iota3A, %add3A_1053 : vector<1x128xi32>
    %broadcast_in_dim3A_1055 = vector.shape_cast %add3A_1054 : vector<1x128xi32> to vector<1x128xi32>
    %broadcast_in_dim3A_1056 = vector.broadcast %broadcast_in_dim3A_1055 : vector<1x128xi32> to vector<1024x128xi32>
    %slice3A_1057 = vector.extract_strided_slice %xor3A_1020 {offsets = [0, 768], sizes = [1024, 128], strides = [1, 1]} : vector<1024x1024xi32> to vector<1024x128xi32>
    %add3A_1058 = arith.constant 12032 : i32
    %add3A_1059 = vector.broadcast %add3A_1058 : i32 to vector<1x128xi32>
    %add3A_1060 = arith.addi %iota3A, %add3A_1059 : vector<1x128xi32>
    %broadcast_in_dim3A_1061 = vector.shape_cast %add3A_1060 : vector<1x128xi32> to vector<1x128xi32>
    %broadcast_in_dim3A_1062 = vector.broadcast %broadcast_in_dim3A_1061 : vector<1x128xi32> to vector<1024x128xi32>
    %slice3A_1063 = vector.extract_strided_slice %xor3A_1020 {offsets = [0, 896], sizes = [1024, 128], strides = [1, 1]} : vector<1024x1024xi32> to vector<1024x128xi32>
    %add3A_1064 = arith.constant 12160 : i32
    %add3A_1065 = vector.broadcast %add3A_1064 : i32 to vector<1x128xi32>
    %add3A_1066 = arith.addi %iota3A, %add3A_1065 : vector<1x128xi32>
    %broadcast_in_dim3A_1067 = vector.shape_cast %add3A_1066 : vector<1x128xi32> to vector<1x128xi32>
    %broadcast_in_dim3A_1068 = vector.broadcast %broadcast_in_dim3A_1067 : vector<1x128xi32> to vector<1024x128xi32>
    %le3A_1069 = arith.cmpi sle, %slice3A_1021, %slice3A_1027 : vector<1024x128xi32>
    %select_n3A_1070 = arith.select %le3A_1069, %slice3A_1021, %slice3A_1027 : vector<1024x128xi1>, vector<1024x128xi32>
    %select_n3A_1071 = arith.select %le3A_1069, %broadcast_in_dim3A_1026, %broadcast_in_dim3A_1032 : vector<1024x128xi1>, vector<1024x128xi32>
    %le3A_1072 = arith.cmpi sle, %slice3A_1033, %slice3A_1039 : vector<1024x128xi32>
    %select_n3A_1073 = arith.select %le3A_1072, %slice3A_1033, %slice3A_1039 : vector<1024x128xi1>, vector<1024x128xi32>
    %select_n3A_1074 = arith.select %le3A_1072, %broadcast_in_dim3A_1038, %broadcast_in_dim3A_1044 : vector<1024x128xi1>, vector<1024x128xi32>
    %le3A_1075 = arith.cmpi sle, %slice3A_1045, %slice3A_1051 : vector<1024x128xi32>
    %select_n3A_1076 = arith.select %le3A_1075, %slice3A_1045, %slice3A_1051 : vector<1024x128xi1>, vector<1024x128xi32>
    %select_n3A_1077 = arith.select %le3A_1075, %broadcast_in_dim3A_1050, %broadcast_in_dim3A_1056 : vector<1024x128xi1>, vector<1024x128xi32>
    %le3A_1078 = arith.cmpi sle, %slice3A_1057, %slice3A_1063 : vector<1024x128xi32>
    %select_n3A_1079 = arith.select %le3A_1078, %slice3A_1057, %slice3A_1063 : vector<1024x128xi1>, vector<1024x128xi32>
    %select_n3A_1080 = arith.select %le3A_1078, %broadcast_in_dim3A_1062, %broadcast_in_dim3A_1068 : vector<1024x128xi1>, vector<1024x128xi32>
    %le3A_1081 = arith.cmpi sle, %select_n3A_1070, %select_n3A_1073 : vector<1024x128xi32>
    %select_n3A_1082 = arith.select %le3A_1081, %select_n3A_1070, %select_n3A_1073 : vector<1024x128xi1>, vector<1024x128xi32>
    %select_n3A_1083 = arith.select %le3A_1081, %select_n3A_1071, %select_n3A_1074 : vector<1024x128xi1>, vector<1024x128xi32>
    %le3A_1084 = arith.cmpi sle, %select_n3A_1076, %select_n3A_1079 : vector<1024x128xi32>
    %select_n3A_1085 = arith.select %le3A_1084, %select_n3A_1076, %select_n3A_1079 : vector<1024x128xi1>, vector<1024x128xi32>
    %select_n3A_1086 = arith.select %le3A_1084, %select_n3A_1077, %select_n3A_1080 : vector<1024x128xi1>, vector<1024x128xi32>
    %le3A_1087 = arith.cmpi sle, %select_n3A_1082, %select_n3A_1085 : vector<1024x128xi32>
    %select_n3A_1088 = arith.select %le3A_1087, %select_n3A_1082, %select_n3A_1085 : vector<1024x128xi1>, vector<1024x128xi32>
    %select_n3A_1089 = arith.select %le3A_1087, %select_n3A_1083, %select_n3A_1086 : vector<1024x128xi1>, vector<1024x128xi32>
    %le3A_1090 = arith.cmpi sle, %select_n3A_1000, %select_n3A_1088 : vector<1024x128xi32>
    %select_n3A_1091 = arith.select %le3A_1090, %select_n3A_1000, %select_n3A_1088 : vector<1024x128xi1>, vector<1024x128xi32>
    %select_n3A_1092 = arith.select %le3A_1090, %select_n3A_1001, %select_n3A_1089 : vector<1024x128xi1>, vector<1024x128xi32>
    %get3A_1093 = arith.constant 0 : index
    %get3A_1094 = arith.constant 12288 : index
    %get3A_1095 = vector.load %arg2[%get3A_1093, %get3A_1094] : memref<2x16384xf32, #tpu.memory_space<vmem>>, vector<2x1024xf32>
    %slice3A_1096 = vector.extract_strided_slice %get3A_1095 {offsets = [0, 0], sizes = [1, 1024], strides = [1, 1]} : vector<2x1024xf32> to vector<1x1024xf32>
    %slice3A_1097 = vector.extract_strided_slice %get3A_1095 {offsets = [1, 0], sizes = [1, 1024], strides = [1, 1]} : vector<2x1024xf32> to vector<1x1024xf32>
    %mul3A_1098 = arith.mulf %slice3A_1096, %slice3A_1096 : vector<1x1024xf32>
    %mul3A_1099 = arith.mulf %slice3A_1097, %slice3A_1097 : vector<1x1024xf32>
    %add3A_1100 = arith.addf %mul3A_1098, %mul3A_1099 : vector<1x1024xf32>
    %convert_element_type3A_1101 = arith.truncf %get3A_1095 : vector<2x1024xf32> to vector<2x1024xbf16>
    %dot_general3A_1102 = arith.constant dense<0.000000e+00> : vector<1024x1024xf32>
    %dot_general3A_1103 = tpu.matmul %convert_element_type3A, %convert_element_type3A_1101, %dot_general3A_1102 {dimension_numbers = #tpu.dot_dimension_numbers<[1], [0], [0], [1], [0, 0, 1, 1], [], []>, transpose_lhs_hint = false} : vector<1024x2xbf16>, vector<2x1024xbf16>, vector<1024x1024xf32> -> vector<1024x1024xf32>
    %add3A_1104 = vector.broadcast %add3A : vector<1024x1xf32> to vector<1024x1024xf32>
    %add3A_1105 = vector.broadcast %add3A_1100 : vector<1x1024xf32> to vector<1024x1024xf32>
    %add3A_1106 = arith.addf %add3A_1104, %add3A_1105 : vector<1024x1024xf32>
    %sub3A_1107 = arith.subf %add3A_1106, %dot_general3A_1103 : vector<1024x1024xf32>
    %bitcast_convert_type3A_1108 = tpu.bitcast %sub3A_1107 : vector<1024x1024xf32> -> vector<1024x1024xi32>
    %xor3A_1109 = arith.constant -2147483648 : i32
    %xor3A_1110 = vector.broadcast %xor3A_1109 : i32 to vector<1024x1024xi32>
    %xor3A_1111 = arith.xori %bitcast_convert_type3A_1108, %xor3A_1110 : vector<1024x1024xi32>
    %slice3A_1112 = vector.extract_strided_slice %xor3A_1111 {offsets = [0, 0], sizes = [1024, 128], strides = [1, 1]} : vector<1024x1024xi32> to vector<1024x128xi32>
    %add3A_1113 = arith.constant 12288 : i32
    %add3A_1114 = vector.broadcast %add3A_1113 : i32 to vector<1x128xi32>
    %add3A_1115 = arith.addi %iota3A, %add3A_1114 : vector<1x128xi32>
    %broadcast_in_dim3A_1116 = vector.shape_cast %add3A_1115 : vector<1x128xi32> to vector<1x128xi32>
    %broadcast_in_dim3A_1117 = vector.broadcast %broadcast_in_dim3A_1116 : vector<1x128xi32> to vector<1024x128xi32>
    %slice3A_1118 = vector.extract_strided_slice %xor3A_1111 {offsets = [0, 128], sizes = [1024, 128], strides = [1, 1]} : vector<1024x1024xi32> to vector<1024x128xi32>
    %add3A_1119 = arith.constant 12416 : i32
    %add3A_1120 = vector.broadcast %add3A_1119 : i32 to vector<1x128xi32>
    %add3A_1121 = arith.addi %iota3A, %add3A_1120 : vector<1x128xi32>
    %broadcast_in_dim3A_1122 = vector.shape_cast %add3A_1121 : vector<1x128xi32> to vector<1x128xi32>
    %broadcast_in_dim3A_1123 = vector.broadcast %broadcast_in_dim3A_1122 : vector<1x128xi32> to vector<1024x128xi32>
    %slice3A_1124 = vector.extract_strided_slice %xor3A_1111 {offsets = [0, 256], sizes = [1024, 128], strides = [1, 1]} : vector<1024x1024xi32> to vector<1024x128xi32>
    %add3A_1125 = arith.constant 12544 : i32
    %add3A_1126 = vector.broadcast %add3A_1125 : i32 to vector<1x128xi32>
    %add3A_1127 = arith.addi %iota3A, %add3A_1126 : vector<1x128xi32>
    %broadcast_in_dim3A_1128 = vector.shape_cast %add3A_1127 : vector<1x128xi32> to vector<1x128xi32>
    %broadcast_in_dim3A_1129 = vector.broadcast %broadcast_in_dim3A_1128 : vector<1x128xi32> to vector<1024x128xi32>
    %slice3A_1130 = vector.extract_strided_slice %xor3A_1111 {offsets = [0, 384], sizes = [1024, 128], strides = [1, 1]} : vector<1024x1024xi32> to vector<1024x128xi32>
    %add3A_1131 = arith.constant 12672 : i32
    %add3A_1132 = vector.broadcast %add3A_1131 : i32 to vector<1x128xi32>
    %add3A_1133 = arith.addi %iota3A, %add3A_1132 : vector<1x128xi32>
    %broadcast_in_dim3A_1134 = vector.shape_cast %add3A_1133 : vector<1x128xi32> to vector<1x128xi32>
    %broadcast_in_dim3A_1135 = vector.broadcast %broadcast_in_dim3A_1134 : vector<1x128xi32> to vector<1024x128xi32>
    %slice3A_1136 = vector.extract_strided_slice %xor3A_1111 {offsets = [0, 512], sizes = [1024, 128], strides = [1, 1]} : vector<1024x1024xi32> to vector<1024x128xi32>
    %add3A_1137 = arith.constant 12800 : i32
    %add3A_1138 = vector.broadcast %add3A_1137 : i32 to vector<1x128xi32>
    %add3A_1139 = arith.addi %iota3A, %add3A_1138 : vector<1x128xi32>
    %broadcast_in_dim3A_1140 = vector.shape_cast %add3A_1139 : vector<1x128xi32> to vector<1x128xi32>
    %broadcast_in_dim3A_1141 = vector.broadcast %broadcast_in_dim3A_1140 : vector<1x128xi32> to vector<1024x128xi32>
    %slice3A_1142 = vector.extract_strided_slice %xor3A_1111 {offsets = [0, 640], sizes = [1024, 128], strides = [1, 1]} : vector<1024x1024xi32> to vector<1024x128xi32>
    %add3A_1143 = arith.constant 12928 : i32
    %add3A_1144 = vector.broadcast %add3A_1143 : i32 to vector<1x128xi32>
    %add3A_1145 = arith.addi %iota3A, %add3A_1144 : vector<1x128xi32>
    %broadcast_in_dim3A_1146 = vector.shape_cast %add3A_1145 : vector<1x128xi32> to vector<1x128xi32>
    %broadcast_in_dim3A_1147 = vector.broadcast %broadcast_in_dim3A_1146 : vector<1x128xi32> to vector<1024x128xi32>
    %slice3A_1148 = vector.extract_strided_slice %xor3A_1111 {offsets = [0, 768], sizes = [1024, 128], strides = [1, 1]} : vector<1024x1024xi32> to vector<1024x128xi32>
    %add3A_1149 = arith.constant 13056 : i32
    %add3A_1150 = vector.broadcast %add3A_1149 : i32 to vector<1x128xi32>
    %add3A_1151 = arith.addi %iota3A, %add3A_1150 : vector<1x128xi32>
    %broadcast_in_dim3A_1152 = vector.shape_cast %add3A_1151 : vector<1x128xi32> to vector<1x128xi32>
    %broadcast_in_dim3A_1153 = vector.broadcast %broadcast_in_dim3A_1152 : vector<1x128xi32> to vector<1024x128xi32>
    %slice3A_1154 = vector.extract_strided_slice %xor3A_1111 {offsets = [0, 896], sizes = [1024, 128], strides = [1, 1]} : vector<1024x1024xi32> to vector<1024x128xi32>
    %add3A_1155 = arith.constant 13184 : i32
    %add3A_1156 = vector.broadcast %add3A_1155 : i32 to vector<1x128xi32>
    %add3A_1157 = arith.addi %iota3A, %add3A_1156 : vector<1x128xi32>
    %broadcast_in_dim3A_1158 = vector.shape_cast %add3A_1157 : vector<1x128xi32> to vector<1x128xi32>
    %broadcast_in_dim3A_1159 = vector.broadcast %broadcast_in_dim3A_1158 : vector<1x128xi32> to vector<1024x128xi32>
    %le3A_1160 = arith.cmpi sle, %slice3A_1112, %slice3A_1118 : vector<1024x128xi32>
    %select_n3A_1161 = arith.select %le3A_1160, %slice3A_1112, %slice3A_1118 : vector<1024x128xi1>, vector<1024x128xi32>
    %select_n3A_1162 = arith.select %le3A_1160, %broadcast_in_dim3A_1117, %broadcast_in_dim3A_1123 : vector<1024x128xi1>, vector<1024x128xi32>
    %le3A_1163 = arith.cmpi sle, %slice3A_1124, %slice3A_1130 : vector<1024x128xi32>
    %select_n3A_1164 = arith.select %le3A_1163, %slice3A_1124, %slice3A_1130 : vector<1024x128xi1>, vector<1024x128xi32>
    %select_n3A_1165 = arith.select %le3A_1163, %broadcast_in_dim3A_1129, %broadcast_in_dim3A_1135 : vector<1024x128xi1>, vector<1024x128xi32>
    %le3A_1166 = arith.cmpi sle, %slice3A_1136, %slice3A_1142 : vector<1024x128xi32>
    %select_n3A_1167 = arith.select %le3A_1166, %slice3A_1136, %slice3A_1142 : vector<1024x128xi1>, vector<1024x128xi32>
    %select_n3A_1168 = arith.select %le3A_1166, %broadcast_in_dim3A_1141, %broadcast_in_dim3A_1147 : vector<1024x128xi1>, vector<1024x128xi32>
    %le3A_1169 = arith.cmpi sle, %slice3A_1148, %slice3A_1154 : vector<1024x128xi32>
    %select_n3A_1170 = arith.select %le3A_1169, %slice3A_1148, %slice3A_1154 : vector<1024x128xi1>, vector<1024x128xi32>
    %select_n3A_1171 = arith.select %le3A_1169, %broadcast_in_dim3A_1153, %broadcast_in_dim3A_1159 : vector<1024x128xi1>, vector<1024x128xi32>
    %le3A_1172 = arith.cmpi sle, %select_n3A_1161, %select_n3A_1164 : vector<1024x128xi32>
    %select_n3A_1173 = arith.select %le3A_1172, %select_n3A_1161, %select_n3A_1164 : vector<1024x128xi1>, vector<1024x128xi32>
    %select_n3A_1174 = arith.select %le3A_1172, %select_n3A_1162, %select_n3A_1165 : vector<1024x128xi1>, vector<1024x128xi32>
    %le3A_1175 = arith.cmpi sle, %select_n3A_1167, %select_n3A_1170 : vector<1024x128xi32>
    %select_n3A_1176 = arith.select %le3A_1175, %select_n3A_1167, %select_n3A_1170 : vector<1024x128xi1>, vector<1024x128xi32>
    %select_n3A_1177 = arith.select %le3A_1175, %select_n3A_1168, %select_n3A_1171 : vector<1024x128xi1>, vector<1024x128xi32>
    %le3A_1178 = arith.cmpi sle, %select_n3A_1173, %select_n3A_1176 : vector<1024x128xi32>
    %select_n3A_1179 = arith.select %le3A_1178, %select_n3A_1173, %select_n3A_1176 : vector<1024x128xi1>, vector<1024x128xi32>
    %select_n3A_1180 = arith.select %le3A_1178, %select_n3A_1174, %select_n3A_1177 : vector<1024x128xi1>, vector<1024x128xi32>
    %le3A_1181 = arith.cmpi sle, %select_n3A_1091, %select_n3A_1179 : vector<1024x128xi32>
    %select_n3A_1182 = arith.select %le3A_1181, %select_n3A_1091, %select_n3A_1179 : vector<1024x128xi1>, vector<1024x128xi32>
    %select_n3A_1183 = arith.select %le3A_1181, %select_n3A_1092, %select_n3A_1180 : vector<1024x128xi1>, vector<1024x128xi32>
    %get3A_1184 = arith.constant 0 : index
    %get3A_1185 = arith.constant 13312 : index
    %get3A_1186 = vector.load %arg2[%get3A_1184, %get3A_1185] : memref<2x16384xf32, #tpu.memory_space<vmem>>, vector<2x1024xf32>
    %slice3A_1187 = vector.extract_strided_slice %get3A_1186 {offsets = [0, 0], sizes = [1, 1024], strides = [1, 1]} : vector<2x1024xf32> to vector<1x1024xf32>
    %slice3A_1188 = vector.extract_strided_slice %get3A_1186 {offsets = [1, 0], sizes = [1, 1024], strides = [1, 1]} : vector<2x1024xf32> to vector<1x1024xf32>
    %mul3A_1189 = arith.mulf %slice3A_1187, %slice3A_1187 : vector<1x1024xf32>
    %mul3A_1190 = arith.mulf %slice3A_1188, %slice3A_1188 : vector<1x1024xf32>
    %add3A_1191 = arith.addf %mul3A_1189, %mul3A_1190 : vector<1x1024xf32>
    %convert_element_type3A_1192 = arith.truncf %get3A_1186 : vector<2x1024xf32> to vector<2x1024xbf16>
    %dot_general3A_1193 = arith.constant dense<0.000000e+00> : vector<1024x1024xf32>
    %dot_general3A_1194 = tpu.matmul %convert_element_type3A, %convert_element_type3A_1192, %dot_general3A_1193 {dimension_numbers = #tpu.dot_dimension_numbers<[1], [0], [0], [1], [0, 0, 1, 1], [], []>, transpose_lhs_hint = false} : vector<1024x2xbf16>, vector<2x1024xbf16>, vector<1024x1024xf32> -> vector<1024x1024xf32>
    %add3A_1195 = vector.broadcast %add3A : vector<1024x1xf32> to vector<1024x1024xf32>
    %add3A_1196 = vector.broadcast %add3A_1191 : vector<1x1024xf32> to vector<1024x1024xf32>
    %add3A_1197 = arith.addf %add3A_1195, %add3A_1196 : vector<1024x1024xf32>
    %sub3A_1198 = arith.subf %add3A_1197, %dot_general3A_1194 : vector<1024x1024xf32>
    %bitcast_convert_type3A_1199 = tpu.bitcast %sub3A_1198 : vector<1024x1024xf32> -> vector<1024x1024xi32>
    %xor3A_1200 = arith.constant -2147483648 : i32
    %xor3A_1201 = vector.broadcast %xor3A_1200 : i32 to vector<1024x1024xi32>
    %xor3A_1202 = arith.xori %bitcast_convert_type3A_1199, %xor3A_1201 : vector<1024x1024xi32>
    %slice3A_1203 = vector.extract_strided_slice %xor3A_1202 {offsets = [0, 0], sizes = [1024, 128], strides = [1, 1]} : vector<1024x1024xi32> to vector<1024x128xi32>
    %add3A_1204 = arith.constant 13312 : i32
    %add3A_1205 = vector.broadcast %add3A_1204 : i32 to vector<1x128xi32>
    %add3A_1206 = arith.addi %iota3A, %add3A_1205 : vector<1x128xi32>
    %broadcast_in_dim3A_1207 = vector.shape_cast %add3A_1206 : vector<1x128xi32> to vector<1x128xi32>
    %broadcast_in_dim3A_1208 = vector.broadcast %broadcast_in_dim3A_1207 : vector<1x128xi32> to vector<1024x128xi32>
    %slice3A_1209 = vector.extract_strided_slice %xor3A_1202 {offsets = [0, 128], sizes = [1024, 128], strides = [1, 1]} : vector<1024x1024xi32> to vector<1024x128xi32>
    %add3A_1210 = arith.constant 13440 : i32
    %add3A_1211 = vector.broadcast %add3A_1210 : i32 to vector<1x128xi32>
    %add3A_1212 = arith.addi %iota3A, %add3A_1211 : vector<1x128xi32>
    %broadcast_in_dim3A_1213 = vector.shape_cast %add3A_1212 : vector<1x128xi32> to vector<1x128xi32>
    %broadcast_in_dim3A_1214 = vector.broadcast %broadcast_in_dim3A_1213 : vector<1x128xi32> to vector<1024x128xi32>
    %slice3A_1215 = vector.extract_strided_slice %xor3A_1202 {offsets = [0, 256], sizes = [1024, 128], strides = [1, 1]} : vector<1024x1024xi32> to vector<1024x128xi32>
    %add3A_1216 = arith.constant 13568 : i32
    %add3A_1217 = vector.broadcast %add3A_1216 : i32 to vector<1x128xi32>
    %add3A_1218 = arith.addi %iota3A, %add3A_1217 : vector<1x128xi32>
    %broadcast_in_dim3A_1219 = vector.shape_cast %add3A_1218 : vector<1x128xi32> to vector<1x128xi32>
    %broadcast_in_dim3A_1220 = vector.broadcast %broadcast_in_dim3A_1219 : vector<1x128xi32> to vector<1024x128xi32>
    %slice3A_1221 = vector.extract_strided_slice %xor3A_1202 {offsets = [0, 384], sizes = [1024, 128], strides = [1, 1]} : vector<1024x1024xi32> to vector<1024x128xi32>
    %add3A_1222 = arith.constant 13696 : i32
    %add3A_1223 = vector.broadcast %add3A_1222 : i32 to vector<1x128xi32>
    %add3A_1224 = arith.addi %iota3A, %add3A_1223 : vector<1x128xi32>
    %broadcast_in_dim3A_1225 = vector.shape_cast %add3A_1224 : vector<1x128xi32> to vector<1x128xi32>
    %broadcast_in_dim3A_1226 = vector.broadcast %broadcast_in_dim3A_1225 : vector<1x128xi32> to vector<1024x128xi32>
    %slice3A_1227 = vector.extract_strided_slice %xor3A_1202 {offsets = [0, 512], sizes = [1024, 128], strides = [1, 1]} : vector<1024x1024xi32> to vector<1024x128xi32>
    %add3A_1228 = arith.constant 13824 : i32
    %add3A_1229 = vector.broadcast %add3A_1228 : i32 to vector<1x128xi32>
    %add3A_1230 = arith.addi %iota3A, %add3A_1229 : vector<1x128xi32>
    %broadcast_in_dim3A_1231 = vector.shape_cast %add3A_1230 : vector<1x128xi32> to vector<1x128xi32>
    %broadcast_in_dim3A_1232 = vector.broadcast %broadcast_in_dim3A_1231 : vector<1x128xi32> to vector<1024x128xi32>
    %slice3A_1233 = vector.extract_strided_slice %xor3A_1202 {offsets = [0, 640], sizes = [1024, 128], strides = [1, 1]} : vector<1024x1024xi32> to vector<1024x128xi32>
    %add3A_1234 = arith.constant 13952 : i32
    %add3A_1235 = vector.broadcast %add3A_1234 : i32 to vector<1x128xi32>
    %add3A_1236 = arith.addi %iota3A, %add3A_1235 : vector<1x128xi32>
    %broadcast_in_dim3A_1237 = vector.shape_cast %add3A_1236 : vector<1x128xi32> to vector<1x128xi32>
    %broadcast_in_dim3A_1238 = vector.broadcast %broadcast_in_dim3A_1237 : vector<1x128xi32> to vector<1024x128xi32>
    %slice3A_1239 = vector.extract_strided_slice %xor3A_1202 {offsets = [0, 768], sizes = [1024, 128], strides = [1, 1]} : vector<1024x1024xi32> to vector<1024x128xi32>
    %add3A_1240 = arith.constant 14080 : i32
    %add3A_1241 = vector.broadcast %add3A_1240 : i32 to vector<1x128xi32>
    %add3A_1242 = arith.addi %iota3A, %add3A_1241 : vector<1x128xi32>
    %broadcast_in_dim3A_1243 = vector.shape_cast %add3A_1242 : vector<1x128xi32> to vector<1x128xi32>
    %broadcast_in_dim3A_1244 = vector.broadcast %broadcast_in_dim3A_1243 : vector<1x128xi32> to vector<1024x128xi32>
    %slice3A_1245 = vector.extract_strided_slice %xor3A_1202 {offsets = [0, 896], sizes = [1024, 128], strides = [1, 1]} : vector<1024x1024xi32> to vector<1024x128xi32>
    %add3A_1246 = arith.constant 14208 : i32
    %add3A_1247 = vector.broadcast %add3A_1246 : i32 to vector<1x128xi32>
    %add3A_1248 = arith.addi %iota3A, %add3A_1247 : vector<1x128xi32>
    %broadcast_in_dim3A_1249 = vector.shape_cast %add3A_1248 : vector<1x128xi32> to vector<1x128xi32>
    %broadcast_in_dim3A_1250 = vector.broadcast %broadcast_in_dim3A_1249 : vector<1x128xi32> to vector<1024x128xi32>
    %le3A_1251 = arith.cmpi sle, %slice3A_1203, %slice3A_1209 : vector<1024x128xi32>
    %select_n3A_1252 = arith.select %le3A_1251, %slice3A_1203, %slice3A_1209 : vector<1024x128xi1>, vector<1024x128xi32>
    %select_n3A_1253 = arith.select %le3A_1251, %broadcast_in_dim3A_1208, %broadcast_in_dim3A_1214 : vector<1024x128xi1>, vector<1024x128xi32>
    %le3A_1254 = arith.cmpi sle, %slice3A_1215, %slice3A_1221 : vector<1024x128xi32>
    %select_n3A_1255 = arith.select %le3A_1254, %slice3A_1215, %slice3A_1221 : vector<1024x128xi1>, vector<1024x128xi32>
    %select_n3A_1256 = arith.select %le3A_1254, %broadcast_in_dim3A_1220, %broadcast_in_dim3A_1226 : vector<1024x128xi1>, vector<1024x128xi32>
    %le3A_1257 = arith.cmpi sle, %slice3A_1227, %slice3A_1233 : vector<1024x128xi32>
    %select_n3A_1258 = arith.select %le3A_1257, %slice3A_1227, %slice3A_1233 : vector<1024x128xi1>, vector<1024x128xi32>
    %select_n3A_1259 = arith.select %le3A_1257, %broadcast_in_dim3A_1232, %broadcast_in_dim3A_1238 : vector<1024x128xi1>, vector<1024x128xi32>
    %le3A_1260 = arith.cmpi sle, %slice3A_1239, %slice3A_1245 : vector<1024x128xi32>
    %select_n3A_1261 = arith.select %le3A_1260, %slice3A_1239, %slice3A_1245 : vector<1024x128xi1>, vector<1024x128xi32>
    %select_n3A_1262 = arith.select %le3A_1260, %broadcast_in_dim3A_1244, %broadcast_in_dim3A_1250 : vector<1024x128xi1>, vector<1024x128xi32>
    %le3A_1263 = arith.cmpi sle, %select_n3A_1252, %select_n3A_1255 : vector<1024x128xi32>
    %select_n3A_1264 = arith.select %le3A_1263, %select_n3A_1252, %select_n3A_1255 : vector<1024x128xi1>, vector<1024x128xi32>
    %select_n3A_1265 = arith.select %le3A_1263, %select_n3A_1253, %select_n3A_1256 : vector<1024x128xi1>, vector<1024x128xi32>
    %le3A_1266 = arith.cmpi sle, %select_n3A_1258, %select_n3A_1261 : vector<1024x128xi32>
    %select_n3A_1267 = arith.select %le3A_1266, %select_n3A_1258, %select_n3A_1261 : vector<1024x128xi1>, vector<1024x128xi32>
    %select_n3A_1268 = arith.select %le3A_1266, %select_n3A_1259, %select_n3A_1262 : vector<1024x128xi1>, vector<1024x128xi32>
    %le3A_1269 = arith.cmpi sle, %select_n3A_1264, %select_n3A_1267 : vector<1024x128xi32>
    %select_n3A_1270 = arith.select %le3A_1269, %select_n3A_1264, %select_n3A_1267 : vector<1024x128xi1>, vector<1024x128xi32>
    %select_n3A_1271 = arith.select %le3A_1269, %select_n3A_1265, %select_n3A_1268 : vector<1024x128xi1>, vector<1024x128xi32>
    %le3A_1272 = arith.cmpi sle, %select_n3A_1182, %select_n3A_1270 : vector<1024x128xi32>
    %select_n3A_1273 = arith.select %le3A_1272, %select_n3A_1182, %select_n3A_1270 : vector<1024x128xi1>, vector<1024x128xi32>
    %select_n3A_1274 = arith.select %le3A_1272, %select_n3A_1183, %select_n3A_1271 : vector<1024x128xi1>, vector<1024x128xi32>
    %get3A_1275 = arith.constant 0 : index
    %get3A_1276 = arith.constant 14336 : index
    %get3A_1277 = vector.load %arg2[%get3A_1275, %get3A_1276] : memref<2x16384xf32, #tpu.memory_space<vmem>>, vector<2x1024xf32>
    %slice3A_1278 = vector.extract_strided_slice %get3A_1277 {offsets = [0, 0], sizes = [1, 1024], strides = [1, 1]} : vector<2x1024xf32> to vector<1x1024xf32>
    %slice3A_1279 = vector.extract_strided_slice %get3A_1277 {offsets = [1, 0], sizes = [1, 1024], strides = [1, 1]} : vector<2x1024xf32> to vector<1x1024xf32>
    %mul3A_1280 = arith.mulf %slice3A_1278, %slice3A_1278 : vector<1x1024xf32>
    %mul3A_1281 = arith.mulf %slice3A_1279, %slice3A_1279 : vector<1x1024xf32>
    %add3A_1282 = arith.addf %mul3A_1280, %mul3A_1281 : vector<1x1024xf32>
    %convert_element_type3A_1283 = arith.truncf %get3A_1277 : vector<2x1024xf32> to vector<2x1024xbf16>
    %dot_general3A_1284 = arith.constant dense<0.000000e+00> : vector<1024x1024xf32>
    %dot_general3A_1285 = tpu.matmul %convert_element_type3A, %convert_element_type3A_1283, %dot_general3A_1284 {dimension_numbers = #tpu.dot_dimension_numbers<[1], [0], [0], [1], [0, 0, 1, 1], [], []>, transpose_lhs_hint = false} : vector<1024x2xbf16>, vector<2x1024xbf16>, vector<1024x1024xf32> -> vector<1024x1024xf32>
    %add3A_1286 = vector.broadcast %add3A : vector<1024x1xf32> to vector<1024x1024xf32>
    %add3A_1287 = vector.broadcast %add3A_1282 : vector<1x1024xf32> to vector<1024x1024xf32>
    %add3A_1288 = arith.addf %add3A_1286, %add3A_1287 : vector<1024x1024xf32>
    %sub3A_1289 = arith.subf %add3A_1288, %dot_general3A_1285 : vector<1024x1024xf32>
    %bitcast_convert_type3A_1290 = tpu.bitcast %sub3A_1289 : vector<1024x1024xf32> -> vector<1024x1024xi32>
    %xor3A_1291 = arith.constant -2147483648 : i32
    %xor3A_1292 = vector.broadcast %xor3A_1291 : i32 to vector<1024x1024xi32>
    %xor3A_1293 = arith.xori %bitcast_convert_type3A_1290, %xor3A_1292 : vector<1024x1024xi32>
    %slice3A_1294 = vector.extract_strided_slice %xor3A_1293 {offsets = [0, 0], sizes = [1024, 128], strides = [1, 1]} : vector<1024x1024xi32> to vector<1024x128xi32>
    %add3A_1295 = arith.constant 14336 : i32
    %add3A_1296 = vector.broadcast %add3A_1295 : i32 to vector<1x128xi32>
    %add3A_1297 = arith.addi %iota3A, %add3A_1296 : vector<1x128xi32>
    %broadcast_in_dim3A_1298 = vector.shape_cast %add3A_1297 : vector<1x128xi32> to vector<1x128xi32>
    %broadcast_in_dim3A_1299 = vector.broadcast %broadcast_in_dim3A_1298 : vector<1x128xi32> to vector<1024x128xi32>
    %slice3A_1300 = vector.extract_strided_slice %xor3A_1293 {offsets = [0, 128], sizes = [1024, 128], strides = [1, 1]} : vector<1024x1024xi32> to vector<1024x128xi32>
    %add3A_1301 = arith.constant 14464 : i32
    %add3A_1302 = vector.broadcast %add3A_1301 : i32 to vector<1x128xi32>
    %add3A_1303 = arith.addi %iota3A, %add3A_1302 : vector<1x128xi32>
    %broadcast_in_dim3A_1304 = vector.shape_cast %add3A_1303 : vector<1x128xi32> to vector<1x128xi32>
    %broadcast_in_dim3A_1305 = vector.broadcast %broadcast_in_dim3A_1304 : vector<1x128xi32> to vector<1024x128xi32>
    %slice3A_1306 = vector.extract_strided_slice %xor3A_1293 {offsets = [0, 256], sizes = [1024, 128], strides = [1, 1]} : vector<1024x1024xi32> to vector<1024x128xi32>
    %add3A_1307 = arith.constant 14592 : i32
    %add3A_1308 = vector.broadcast %add3A_1307 : i32 to vector<1x128xi32>
    %add3A_1309 = arith.addi %iota3A, %add3A_1308 : vector<1x128xi32>
    %broadcast_in_dim3A_1310 = vector.shape_cast %add3A_1309 : vector<1x128xi32> to vector<1x128xi32>
    %broadcast_in_dim3A_1311 = vector.broadcast %broadcast_in_dim3A_1310 : vector<1x128xi32> to vector<1024x128xi32>
    %slice3A_1312 = vector.extract_strided_slice %xor3A_1293 {offsets = [0, 384], sizes = [1024, 128], strides = [1, 1]} : vector<1024x1024xi32> to vector<1024x128xi32>
    %add3A_1313 = arith.constant 14720 : i32
    %add3A_1314 = vector.broadcast %add3A_1313 : i32 to vector<1x128xi32>
    %add3A_1315 = arith.addi %iota3A, %add3A_1314 : vector<1x128xi32>
    %broadcast_in_dim3A_1316 = vector.shape_cast %add3A_1315 : vector<1x128xi32> to vector<1x128xi32>
    %broadcast_in_dim3A_1317 = vector.broadcast %broadcast_in_dim3A_1316 : vector<1x128xi32> to vector<1024x128xi32>
    %slice3A_1318 = vector.extract_strided_slice %xor3A_1293 {offsets = [0, 512], sizes = [1024, 128], strides = [1, 1]} : vector<1024x1024xi32> to vector<1024x128xi32>
    %add3A_1319 = arith.constant 14848 : i32
    %add3A_1320 = vector.broadcast %add3A_1319 : i32 to vector<1x128xi32>
    %add3A_1321 = arith.addi %iota3A, %add3A_1320 : vector<1x128xi32>
    %broadcast_in_dim3A_1322 = vector.shape_cast %add3A_1321 : vector<1x128xi32> to vector<1x128xi32>
    %broadcast_in_dim3A_1323 = vector.broadcast %broadcast_in_dim3A_1322 : vector<1x128xi32> to vector<1024x128xi32>
    %slice3A_1324 = vector.extract_strided_slice %xor3A_1293 {offsets = [0, 640], sizes = [1024, 128], strides = [1, 1]} : vector<1024x1024xi32> to vector<1024x128xi32>
    %add3A_1325 = arith.constant 14976 : i32
    %add3A_1326 = vector.broadcast %add3A_1325 : i32 to vector<1x128xi32>
    %add3A_1327 = arith.addi %iota3A, %add3A_1326 : vector<1x128xi32>
    %broadcast_in_dim3A_1328 = vector.shape_cast %add3A_1327 : vector<1x128xi32> to vector<1x128xi32>
    %broadcast_in_dim3A_1329 = vector.broadcast %broadcast_in_dim3A_1328 : vector<1x128xi32> to vector<1024x128xi32>
    %slice3A_1330 = vector.extract_strided_slice %xor3A_1293 {offsets = [0, 768], sizes = [1024, 128], strides = [1, 1]} : vector<1024x1024xi32> to vector<1024x128xi32>
    %add3A_1331 = arith.constant 15104 : i32
    %add3A_1332 = vector.broadcast %add3A_1331 : i32 to vector<1x128xi32>
    %add3A_1333 = arith.addi %iota3A, %add3A_1332 : vector<1x128xi32>
    %broadcast_in_dim3A_1334 = vector.shape_cast %add3A_1333 : vector<1x128xi32> to vector<1x128xi32>
    %broadcast_in_dim3A_1335 = vector.broadcast %broadcast_in_dim3A_1334 : vector<1x128xi32> to vector<1024x128xi32>
    %slice3A_1336 = vector.extract_strided_slice %xor3A_1293 {offsets = [0, 896], sizes = [1024, 128], strides = [1, 1]} : vector<1024x1024xi32> to vector<1024x128xi32>
    %add3A_1337 = arith.constant 15232 : i32
    %add3A_1338 = vector.broadcast %add3A_1337 : i32 to vector<1x128xi32>
    %add3A_1339 = arith.addi %iota3A, %add3A_1338 : vector<1x128xi32>
    %broadcast_in_dim3A_1340 = vector.shape_cast %add3A_1339 : vector<1x128xi32> to vector<1x128xi32>
    %broadcast_in_dim3A_1341 = vector.broadcast %broadcast_in_dim3A_1340 : vector<1x128xi32> to vector<1024x128xi32>
    %le3A_1342 = arith.cmpi sle, %slice3A_1294, %slice3A_1300 : vector<1024x128xi32>
    %select_n3A_1343 = arith.select %le3A_1342, %slice3A_1294, %slice3A_1300 : vector<1024x128xi1>, vector<1024x128xi32>
    %select_n3A_1344 = arith.select %le3A_1342, %broadcast_in_dim3A_1299, %broadcast_in_dim3A_1305 : vector<1024x128xi1>, vector<1024x128xi32>
    %le3A_1345 = arith.cmpi sle, %slice3A_1306, %slice3A_1312 : vector<1024x128xi32>
    %select_n3A_1346 = arith.select %le3A_1345, %slice3A_1306, %slice3A_1312 : vector<1024x128xi1>, vector<1024x128xi32>
    %select_n3A_1347 = arith.select %le3A_1345, %broadcast_in_dim3A_1311, %broadcast_in_dim3A_1317 : vector<1024x128xi1>, vector<1024x128xi32>
    %le3A_1348 = arith.cmpi sle, %slice3A_1318, %slice3A_1324 : vector<1024x128xi32>
    %select_n3A_1349 = arith.select %le3A_1348, %slice3A_1318, %slice3A_1324 : vector<1024x128xi1>, vector<1024x128xi32>
    %select_n3A_1350 = arith.select %le3A_1348, %broadcast_in_dim3A_1323, %broadcast_in_dim3A_1329 : vector<1024x128xi1>, vector<1024x128xi32>
    %le3A_1351 = arith.cmpi sle, %slice3A_1330, %slice3A_1336 : vector<1024x128xi32>
    %select_n3A_1352 = arith.select %le3A_1351, %slice3A_1330, %slice3A_1336 : vector<1024x128xi1>, vector<1024x128xi32>
    %select_n3A_1353 = arith.select %le3A_1351, %broadcast_in_dim3A_1335, %broadcast_in_dim3A_1341 : vector<1024x128xi1>, vector<1024x128xi32>
    %le3A_1354 = arith.cmpi sle, %select_n3A_1343, %select_n3A_1346 : vector<1024x128xi32>
    %select_n3A_1355 = arith.select %le3A_1354, %select_n3A_1343, %select_n3A_1346 : vector<1024x128xi1>, vector<1024x128xi32>
    %select_n3A_1356 = arith.select %le3A_1354, %select_n3A_1344, %select_n3A_1347 : vector<1024x128xi1>, vector<1024x128xi32>
    %le3A_1357 = arith.cmpi sle, %select_n3A_1349, %select_n3A_1352 : vector<1024x128xi32>
    %select_n3A_1358 = arith.select %le3A_1357, %select_n3A_1349, %select_n3A_1352 : vector<1024x128xi1>, vector<1024x128xi32>
    %select_n3A_1359 = arith.select %le3A_1357, %select_n3A_1350, %select_n3A_1353 : vector<1024x128xi1>, vector<1024x128xi32>
    %le3A_1360 = arith.cmpi sle, %select_n3A_1355, %select_n3A_1358 : vector<1024x128xi32>
    %select_n3A_1361 = arith.select %le3A_1360, %select_n3A_1355, %select_n3A_1358 : vector<1024x128xi1>, vector<1024x128xi32>
    %select_n3A_1362 = arith.select %le3A_1360, %select_n3A_1356, %select_n3A_1359 : vector<1024x128xi1>, vector<1024x128xi32>
    %le3A_1363 = arith.cmpi sle, %select_n3A_1273, %select_n3A_1361 : vector<1024x128xi32>
    %select_n3A_1364 = arith.select %le3A_1363, %select_n3A_1273, %select_n3A_1361 : vector<1024x128xi1>, vector<1024x128xi32>
    %select_n3A_1365 = arith.select %le3A_1363, %select_n3A_1274, %select_n3A_1362 : vector<1024x128xi1>, vector<1024x128xi32>
    %get3A_1366 = arith.constant 0 : index
    %get3A_1367 = arith.constant 15360 : index
    %get3A_1368 = vector.load %arg2[%get3A_1366, %get3A_1367] : memref<2x16384xf32, #tpu.memory_space<vmem>>, vector<2x1024xf32>
    %slice3A_1369 = vector.extract_strided_slice %get3A_1368 {offsets = [0, 0], sizes = [1, 1024], strides = [1, 1]} : vector<2x1024xf32> to vector<1x1024xf32>
    %slice3A_1370 = vector.extract_strided_slice %get3A_1368 {offsets = [1, 0], sizes = [1, 1024], strides = [1, 1]} : vector<2x1024xf32> to vector<1x1024xf32>
    %mul3A_1371 = arith.mulf %slice3A_1369, %slice3A_1369 : vector<1x1024xf32>
    %mul3A_1372 = arith.mulf %slice3A_1370, %slice3A_1370 : vector<1x1024xf32>
    %add3A_1373 = arith.addf %mul3A_1371, %mul3A_1372 : vector<1x1024xf32>
    %convert_element_type3A_1374 = arith.truncf %get3A_1368 : vector<2x1024xf32> to vector<2x1024xbf16>
    %dot_general3A_1375 = arith.constant dense<0.000000e+00> : vector<1024x1024xf32>
    %dot_general3A_1376 = tpu.matmul %convert_element_type3A, %convert_element_type3A_1374, %dot_general3A_1375 {dimension_numbers = #tpu.dot_dimension_numbers<[1], [0], [0], [1], [0, 0, 1, 1], [], []>, transpose_lhs_hint = false} : vector<1024x2xbf16>, vector<2x1024xbf16>, vector<1024x1024xf32> -> vector<1024x1024xf32>
    %add3A_1377 = vector.broadcast %add3A : vector<1024x1xf32> to vector<1024x1024xf32>
    %add3A_1378 = vector.broadcast %add3A_1373 : vector<1x1024xf32> to vector<1024x1024xf32>
    %add3A_1379 = arith.addf %add3A_1377, %add3A_1378 : vector<1024x1024xf32>
    %sub3A_1380 = arith.subf %add3A_1379, %dot_general3A_1376 : vector<1024x1024xf32>
    %bitcast_convert_type3A_1381 = tpu.bitcast %sub3A_1380 : vector<1024x1024xf32> -> vector<1024x1024xi32>
    %xor3A_1382 = arith.constant -2147483648 : i32
    %xor3A_1383 = vector.broadcast %xor3A_1382 : i32 to vector<1024x1024xi32>
    %xor3A_1384 = arith.xori %bitcast_convert_type3A_1381, %xor3A_1383 : vector<1024x1024xi32>
    %slice3A_1385 = vector.extract_strided_slice %xor3A_1384 {offsets = [0, 0], sizes = [1024, 128], strides = [1, 1]} : vector<1024x1024xi32> to vector<1024x128xi32>
    %add3A_1386 = arith.constant 15360 : i32
    %add3A_1387 = vector.broadcast %add3A_1386 : i32 to vector<1x128xi32>
    %add3A_1388 = arith.addi %iota3A, %add3A_1387 : vector<1x128xi32>
    %broadcast_in_dim3A_1389 = vector.shape_cast %add3A_1388 : vector<1x128xi32> to vector<1x128xi32>
    %broadcast_in_dim3A_1390 = vector.broadcast %broadcast_in_dim3A_1389 : vector<1x128xi32> to vector<1024x128xi32>
    %slice3A_1391 = vector.extract_strided_slice %xor3A_1384 {offsets = [0, 128], sizes = [1024, 128], strides = [1, 1]} : vector<1024x1024xi32> to vector<1024x128xi32>
    %add3A_1392 = arith.constant 15488 : i32
    %add3A_1393 = vector.broadcast %add3A_1392 : i32 to vector<1x128xi32>
    %add3A_1394 = arith.addi %iota3A, %add3A_1393 : vector<1x128xi32>
    %broadcast_in_dim3A_1395 = vector.shape_cast %add3A_1394 : vector<1x128xi32> to vector<1x128xi32>
    %broadcast_in_dim3A_1396 = vector.broadcast %broadcast_in_dim3A_1395 : vector<1x128xi32> to vector<1024x128xi32>
    %slice3A_1397 = vector.extract_strided_slice %xor3A_1384 {offsets = [0, 256], sizes = [1024, 128], strides = [1, 1]} : vector<1024x1024xi32> to vector<1024x128xi32>
    %add3A_1398 = arith.constant 15616 : i32
    %add3A_1399 = vector.broadcast %add3A_1398 : i32 to vector<1x128xi32>
    %add3A_1400 = arith.addi %iota3A, %add3A_1399 : vector<1x128xi32>
    %broadcast_in_dim3A_1401 = vector.shape_cast %add3A_1400 : vector<1x128xi32> to vector<1x128xi32>
    %broadcast_in_dim3A_1402 = vector.broadcast %broadcast_in_dim3A_1401 : vector<1x128xi32> to vector<1024x128xi32>
    %slice3A_1403 = vector.extract_strided_slice %xor3A_1384 {offsets = [0, 384], sizes = [1024, 128], strides = [1, 1]} : vector<1024x1024xi32> to vector<1024x128xi32>
    %add3A_1404 = arith.constant 15744 : i32
    %add3A_1405 = vector.broadcast %add3A_1404 : i32 to vector<1x128xi32>
    %add3A_1406 = arith.addi %iota3A, %add3A_1405 : vector<1x128xi32>
    %broadcast_in_dim3A_1407 = vector.shape_cast %add3A_1406 : vector<1x128xi32> to vector<1x128xi32>
    %broadcast_in_dim3A_1408 = vector.broadcast %broadcast_in_dim3A_1407 : vector<1x128xi32> to vector<1024x128xi32>
    %slice3A_1409 = vector.extract_strided_slice %xor3A_1384 {offsets = [0, 512], sizes = [1024, 128], strides = [1, 1]} : vector<1024x1024xi32> to vector<1024x128xi32>
    %add3A_1410 = arith.constant 15872 : i32
    %add3A_1411 = vector.broadcast %add3A_1410 : i32 to vector<1x128xi32>
    %add3A_1412 = arith.addi %iota3A, %add3A_1411 : vector<1x128xi32>
    %broadcast_in_dim3A_1413 = vector.shape_cast %add3A_1412 : vector<1x128xi32> to vector<1x128xi32>
    %broadcast_in_dim3A_1414 = vector.broadcast %broadcast_in_dim3A_1413 : vector<1x128xi32> to vector<1024x128xi32>
    %slice3A_1415 = vector.extract_strided_slice %xor3A_1384 {offsets = [0, 640], sizes = [1024, 128], strides = [1, 1]} : vector<1024x1024xi32> to vector<1024x128xi32>
    %add3A_1416 = arith.constant 16000 : i32
    %add3A_1417 = vector.broadcast %add3A_1416 : i32 to vector<1x128xi32>
    %add3A_1418 = arith.addi %iota3A, %add3A_1417 : vector<1x128xi32>
    %broadcast_in_dim3A_1419 = vector.shape_cast %add3A_1418 : vector<1x128xi32> to vector<1x128xi32>
    %broadcast_in_dim3A_1420 = vector.broadcast %broadcast_in_dim3A_1419 : vector<1x128xi32> to vector<1024x128xi32>
    %slice3A_1421 = vector.extract_strided_slice %xor3A_1384 {offsets = [0, 768], sizes = [1024, 128], strides = [1, 1]} : vector<1024x1024xi32> to vector<1024x128xi32>
    %add3A_1422 = arith.constant 16128 : i32
    %add3A_1423 = vector.broadcast %add3A_1422 : i32 to vector<1x128xi32>
    %add3A_1424 = arith.addi %iota3A, %add3A_1423 : vector<1x128xi32>
    %broadcast_in_dim3A_1425 = vector.shape_cast %add3A_1424 : vector<1x128xi32> to vector<1x128xi32>
    %broadcast_in_dim3A_1426 = vector.broadcast %broadcast_in_dim3A_1425 : vector<1x128xi32> to vector<1024x128xi32>
    %slice3A_1427 = vector.extract_strided_slice %xor3A_1384 {offsets = [0, 896], sizes = [1024, 128], strides = [1, 1]} : vector<1024x1024xi32> to vector<1024x128xi32>
    %add3A_1428 = arith.constant 16256 : i32
    %add3A_1429 = vector.broadcast %add3A_1428 : i32 to vector<1x128xi32>
    %add3A_1430 = arith.addi %iota3A, %add3A_1429 : vector<1x128xi32>
    %broadcast_in_dim3A_1431 = vector.shape_cast %add3A_1430 : vector<1x128xi32> to vector<1x128xi32>
    %broadcast_in_dim3A_1432 = vector.broadcast %broadcast_in_dim3A_1431 : vector<1x128xi32> to vector<1024x128xi32>
    %le3A_1433 = arith.cmpi sle, %slice3A_1385, %slice3A_1391 : vector<1024x128xi32>
    %select_n3A_1434 = arith.select %le3A_1433, %slice3A_1385, %slice3A_1391 : vector<1024x128xi1>, vector<1024x128xi32>
    %select_n3A_1435 = arith.select %le3A_1433, %broadcast_in_dim3A_1390, %broadcast_in_dim3A_1396 : vector<1024x128xi1>, vector<1024x128xi32>
    %le3A_1436 = arith.cmpi sle, %slice3A_1397, %slice3A_1403 : vector<1024x128xi32>
    %select_n3A_1437 = arith.select %le3A_1436, %slice3A_1397, %slice3A_1403 : vector<1024x128xi1>, vector<1024x128xi32>
    %select_n3A_1438 = arith.select %le3A_1436, %broadcast_in_dim3A_1402, %broadcast_in_dim3A_1408 : vector<1024x128xi1>, vector<1024x128xi32>
    %le3A_1439 = arith.cmpi sle, %slice3A_1409, %slice3A_1415 : vector<1024x128xi32>
    %select_n3A_1440 = arith.select %le3A_1439, %slice3A_1409, %slice3A_1415 : vector<1024x128xi1>, vector<1024x128xi32>
    %select_n3A_1441 = arith.select %le3A_1439, %broadcast_in_dim3A_1414, %broadcast_in_dim3A_1420 : vector<1024x128xi1>, vector<1024x128xi32>
    %le3A_1442 = arith.cmpi sle, %slice3A_1421, %slice3A_1427 : vector<1024x128xi32>
    %select_n3A_1443 = arith.select %le3A_1442, %slice3A_1421, %slice3A_1427 : vector<1024x128xi1>, vector<1024x128xi32>
    %select_n3A_1444 = arith.select %le3A_1442, %broadcast_in_dim3A_1426, %broadcast_in_dim3A_1432 : vector<1024x128xi1>, vector<1024x128xi32>
    %le3A_1445 = arith.cmpi sle, %select_n3A_1434, %select_n3A_1437 : vector<1024x128xi32>
    %select_n3A_1446 = arith.select %le3A_1445, %select_n3A_1434, %select_n3A_1437 : vector<1024x128xi1>, vector<1024x128xi32>
    %select_n3A_1447 = arith.select %le3A_1445, %select_n3A_1435, %select_n3A_1438 : vector<1024x128xi1>, vector<1024x128xi32>
    %le3A_1448 = arith.cmpi sle, %select_n3A_1440, %select_n3A_1443 : vector<1024x128xi32>
    %select_n3A_1449 = arith.select %le3A_1448, %select_n3A_1440, %select_n3A_1443 : vector<1024x128xi1>, vector<1024x128xi32>
    %select_n3A_1450 = arith.select %le3A_1448, %select_n3A_1441, %select_n3A_1444 : vector<1024x128xi1>, vector<1024x128xi32>
    %le3A_1451 = arith.cmpi sle, %select_n3A_1446, %select_n3A_1449 : vector<1024x128xi32>
    %select_n3A_1452 = arith.select %le3A_1451, %select_n3A_1446, %select_n3A_1449 : vector<1024x128xi1>, vector<1024x128xi32>
    %select_n3A_1453 = arith.select %le3A_1451, %select_n3A_1447, %select_n3A_1450 : vector<1024x128xi1>, vector<1024x128xi32>
    %le3A_1454 = arith.cmpi sle, %select_n3A_1364, %select_n3A_1452 : vector<1024x128xi32>
    %select_n3A_1455 = arith.select %le3A_1454, %select_n3A_1364, %select_n3A_1452 : vector<1024x128xi1>, vector<1024x128xi32>
    %select_n3A_1456 = arith.select %le3A_1454, %select_n3A_1365, %select_n3A_1453 : vector<1024x128xi1>, vector<1024x128xi32>
    %reduce_min3A = arith.constant dense<2147483647> : vector<1024xi32>
    %reduce_min3A_1457 = vector.multi_reduction <minsi>, %select_n3A_1455, %reduce_min3A [1] : vector<1024x128xi32> to vector<1024xi32>
    %broadcast_in_dim3A_1458 = vector.shape_cast %reduce_min3A_1457 : vector<1024xi32> to vector<1024x1xi32>
    %eq3A = vector.broadcast %broadcast_in_dim3A_1458 : vector<1024x1xi32> to vector<1024x128xi32>
    %eq3A_1459 = arith.cmpi eq, %select_n3A_1455, %eq3A : vector<1024x128xi32>
    %jit3A = arith.constant 1073741824 : i32
    %broadcast_in_dim3A_1460 = vector.broadcast %jit3A : i32 to vector<1024x128xi32>
    %select_n3A_1461 = arith.select %eq3A_1459, %select_n3A_1456, %broadcast_in_dim3A_1460 : vector<1024x128xi1>, vector<1024x128xi32>
    %reduce_min3A_1462 = arith.constant dense<2147483647> : vector<1024xi32>
    %reduce_min3A_1463 = vector.multi_reduction <minsi>, %select_n3A_1461, %reduce_min3A_1462 [1] : vector<1024x128xi32> to vector<1024xi32>
    %broadcast_in_dim3A_1464 = vector.shape_cast %reduce_min3A_1463 : vector<1024xi32> to vector<1024x1xi32>
    %swap3A = arith.constant 0 : index
    %swap3A_1465 = arith.constant 0 : index
    %swap3A_1466 = vector.load %arg3[%swap3A, %swap3A_1465] : memref<1024x1xi32, #tpu.memory_space<vmem>>, vector<1024x1xi32>
    tpu.vector_store %arg3[%swap3A, %swap3A_1465], %broadcast_in_dim3A_1464 {strides = array<i32>} : memref<1024x1xi32, #tpu.memory_space<vmem>>, vector<1024x1xi32>,
    return
  }
  func.func @transform_0(%arg0: i32) -> (i32, i32) {
    %c0_i32 = arith.constant 0 : i32
    %c0_i32_0 = arith.constant 0 : i32
    return %arg0, %c0_i32 : i32, i32
  }
  func.func @transform_1(%arg0: i32) -> (i32, i32) {
    %c0_i32 = arith.constant 0 : i32
    %c0_i32_0 = arith.constant 0 : i32
    %c0_i32_1 = arith.constant 0 : i32
    return %c0_i32, %c0_i32_0 : i32, i32
  }
  func.func @transform_2(%arg0: i32) -> (i32, i32) {
    %c0_i32 = arith.constant 0 : i32
    %c0_i32_0 = arith.constant 0 : i32
    return %arg0, %c0_i32 : i32, i32
  }
}

</mosaic_0001>

<sc_bundles>
// kernel: kernel.6.cloned.1.call-start
scs
__scs_entry_jumppad:
0x0: {  	(pc) =	sbr.rel $0x88, $3  }
0x1: {  	(tag) =	ssettag $0x0;
	lr =	simm.s32 $0x1  }
0x2: {  	[smem:$0x3F9E] =	sst lr;
	_ =	strace $0xD0000000  }
0x3: {  	_ = 	snop  }
0x4: {  	_ = 	snop  }
0x5: {  	_ = 	snop  }
0x6: {  	_ = 	snop  }
0x7: {  	_ = 	snop  }
__scs_overlays_trampoline_lowered:
0x8: {  	[smem:$0x3FAD] =	sst s0  }
0x9: {  	[smem:$0x3FAE] =	sst s1  }
0xa: {  	[smem:$0x3FAF] =	sst s2  }
0xb: {  	[smem:$0x3FB0] =	sst s3  }
0xc: {  	[smem:$0x3FB1] =	sst s4  }
0xd: {  	[smem:$0x3FB2] =	sst s5  }
0xe: {  	[smem:$0x3FB3] =	sst s6  }
0xf: {  	[smem:$0x3FB4] =	sst s7  }
0x10: {  	[smem:$0x3FB5] =	sst s8  }
0x11: {  	[smem:$0x3FB6] =	sst s9;
	s0 =	simm.s32 @!p0 $0x0  }
0x12: {  	s1 =	sld [smem:$0x3F9C];
	s0 =	simm.s32 @p0 $0x1  }
0x13: {  	[smem:$0x3FB7] =	sst s0;
	s0 =	simm.s32 @!p1 $0x0  }
0x14: {  	s2 =	sld [smem:$0x3F9B];
	s0 =	simm.s32 @p1 $0x1  }
0x15: {  	[smem:$0x3FB8] =	sst s0;
	s0 =	simm.s32 @!p2 $0x0  }
0x16: {  	s3 =	sld [smem:$0x3FDB];
	s0 =	simm.s32 @p2 $0x1  }
0x17: {  	s4 =	simm.s32 $0x1BF5;
	[smem:$0x3FBA] =	sst s0  }
0x18: {  	s0 =	sld [smem:$0x3F9D];
	_ =	swait.ge [sflag:s4], $0x0  }
0x19: {  	s7 =	sld [smem:$0x3F9E]  }
0x1a: {  	s8 =	sadd.s32 $0xFFFFE003, lr  }
0x1b: {  	s9 =	sadd.s32 $0xFFFFFEF7, lr;
	s5 =	simm.s32 $0xFFFFFFFF;
	p2 =	slt.u32 s8, $0xFFFFF086  }
0x1c: {  	p1 =	slt.u32 s9, $0xF7A;
	s5 =	simm.s32 @!p2 $0x0  }
0x1d: {  	s5 =	simm.s32 @p1 $0x1;
	p0 =	seq.s32 s7, s2  }
0x1e: {  	s7 =	smul.u32 @!p0 $0xF7A, s2;
	p2 =	seq.s32 @!p0 s5, $0x0  }
0x1f: {  	s9 =	smul.u32 $0xF7A, s1;
	s8 =	simm.s32 @!p0 $0x1BF5;
	p2 =	por !p2, p0  }
0x20: {  	[sflag:s8] =	ssyncset.s32 @!p0 $0xFFFFF086;
	s6 =	sadd.s32 @!p0 s3, s7;
	s7 =	simm.s32 @!p0 $0x108  }
0x21: {  	s3 =	sadd.s32 s3, s9;
	s6 =	sadd.s32 @!p0 $0x88, s6;
	s7 =	simm.s32 @p2 $0x1082  }
0x22: {  	[simem:s7], [sflag:s8] =	dma.local @!p0 [hbm:s6], $0xF7A  }
0x23: {  	s9 =	sor.u32 $0xD0000000, s2;
	s6 =	simm.s32 $0x108;
	_ =	swait.ge @!p0 [sflag:s8], $0x0  }
0x24: {  	s3 =	sadd.s32 $0x88, s3;
	s6 =	simm.s32 @!p1 $0x1082;
	[sflag:s4] =	ssyncset.s32 $0xFFFFF086  }
0x25: {  	[simem:s6], [sflag:s4] =	dma.local [hbm:s3], $0xF7A  }
0x26: {  	[smem:$0x3F9E] =	sst s1;
	(tag) =	ssettag s2;
	_ =	strace s9  }
0x27: {  	s1 =	sld [smem:$0x3FAE]  }
0x28: {  	s2 =	sld [smem:$0x3FAF]  }
0x29: {  	s4 =	sld [smem:$0x3FB1]  }
0x2a: {  	p0 =	seq.s32 s5, $0x0;
	s5 =	sld [smem:$0x3FB2]  }
0x2b: {  	s6 =	sld [smem:$0x3FB3]  }
0x2c: {  	s7 =	sld [smem:$0x3FB4]  }
0x2d: {  	s3 =	simm.s32 $0x108;
	s8 =	sld [smem:$0x3FB5]  }
0x2e: {  	s3 =	simm.s32 @!p0 $0x1082;
	s9 =	sld [smem:$0x3FB6]  }
0x2f: {  	lr =	sadd.s32 s0, s3;
	s0 =	sld [smem:$0x3FAD]  }
0x30: {  	s3 =	sld [smem:$0x3FB0]  }
0x31: {  	[smem:$0x3FB9] =	sst s10  }
0x32: {  	s10 =	sld [smem:$0x3FB7];
	_ =	sdelay $0x3  }
0x33: {  	p0 =	seq.s32 s10, $0x1;
	s10 =	sld [smem:$0x3FB9];
	_ =	sdelay $0x3  }
0x34: {  	[smem:$0x3FB9] =	sst s10  }
0x35: {  	s10 =	sld [smem:$0x3FB8];
	_ =	sdelay $0x3  }
0x36: {  	p1 =	seq.s32 s10, $0x1;
	s10 =	sld [smem:$0x3FB9];
	_ =	sdelay $0x3  }
0x37: {  	[smem:$0x3FB9] =	sst s10  }
0x38: {  	s10 =	sld [smem:$0x3FBA]  }
0x39: {  	_ = 	snop;
	(pc) =	sbr.ind lr, $3  }
0x3a: {  	_ = 	snop  }
0x3b: {  	_ = 	snop  }
0x3c: {  	p2 =	seq.s32 s10, $0x1;
	s10 =	sld [smem:$0x3FB9]  }
0x3d: {  	_ =	shalt  }
0x3e: {  	_ =	shalt  }
0x3f: {  	_ =	shalt  }
0x40: {  	_ =	shalt  }
0x41: {  	_ =	shalt  }
0x42: {  	_ =	shalt  }
0x43: {  	_ =	shalt  }
0x44: {  	_ =	shalt  }
0x45: {  	_ =	shalt  }
0x46: {  	_ =	shalt  }
0x47: {  	_ =	shalt  }
0x48: {  	_ =	shalt  }
0x49: {  	_ =	shalt  }
0x4a: {  	_ =	shalt  }
0x4b: {  	_ =	shalt  }
0x4c: {  	_ =	shalt  }
0x4d: {  	_ =	shalt  }
0x4e: {  	_ =	shalt  }
0x4f: {  	_ =	shalt  }
0x50: {  	_ =	shalt  }
0x51: {  	_ =	shalt  }
0x52: {  	_ =	shalt  }
0x53: {  	_ =	shalt  }
0x54: {  	_ =	shalt  }
0x55: {  	_ =	shalt  }
0x56: {  	_ =	shalt  }
0x57: {  	_ =	shalt  }
0x58: {  	_ =	shalt  }
0x59: {  	_ =	shalt  }
0x5a: {  	_ =	shalt  }
0x5b: {  	_ =	shalt  }
0x5c: {  	_ =	shalt  }
0x5d: {  	_ =	shalt  }
0x5e: {  	_ =	shalt  }
0x5f: {  	_ =	shalt  }
0x60: {  	_ =	shalt  }
0x61: {  	_ =	shalt  }
0x62: {  	_ =	shalt  }
0x63: {  	_ =	shalt  }
0x64: {  	_ =	shalt  }
0x65: {  	_ =	shalt  }
0x66: {  	_ =	shalt  }
0x67: {  	_ =	shalt  }
0x68: {  	_ =	shalt  }
0x69: {  	_ =	shalt  }
0x6a: {  	_ =	shalt  }
0x6b: {  	_ =	shalt  }
0x6c: {  	_ =	shalt  }
0x6d: {  	_ =	shalt  }
0x6e: {  	_ =	shalt  }
0x6f: {  	_ =	shalt  }
0x70: {  	_ =	shalt  }
0x71: {  	_ =	shalt  }
0x72: {  	_ =	shalt  }
0x73: {  	_ =	shalt  }
0x74: {  	_ =	shalt  }
0x75: {  	_ =	shalt  }
0x76: {  	_ =	shalt  }
0x77: {  	_ =	shalt  }
0x78: {  	_ =	shalt  }
0x79: {  	_ =	shalt  }
0x7a: {  	_ =	shalt  }
0x7b: {  	_ =	shalt  }
0x7c: {  	_ =	shalt  }
0x7d: {  	_ =	shalt  }
0x7e: {  	_ =	shalt  }
0x7f: {  	_ =	shalt  }
0x80: {  	_ =	shalt  }
0x81: {  	_ =	shalt  }
0x82: {  	_ =	shalt  }
0x83: {  	_ =	shalt  }
0x84: {  	_ =	shalt  }
0x85: {  	_ =	shalt  }
0x86: {  	_ =	shalt  }
0x87: {  	_ =	shalt  }
.Lfunc_end0:
.L_simem_size_0:
called_computation_lowered:
.L_overlay_start_0:
0x88: {  	s2 =	sld [smem:$0x3FD9]  }
0x89: {  	s3 =	sld [smem:$0x3FFE];
	_ =	sdelay $0x1  }
0x8a: {  	s1 =	srdreg.scid  }
0x8b: {  	s0 =	sand.u32 $0x1, s1  }
0x8c: {  	s17 =	sshll.u32 s0, $0xA;
	s2 =	sadd.s32 s3, s2  }
0x8d: {  	s2 =	sadd.s32 s2, s17  }
0x8e: {  	[smem:$0x3FC5] =	sst s2  }
0x8f: {  	_ = 	snop  }
0x90: {  	s18 =	sld [smem:$0x3FD0];
	(tm) =	ssettm $0x1  }
0x91: {  	s19 =	sld [smem:$0x3FFB];
	_ =	sdelay $0x3  }
0x92: {  	_ =	strace s19  }
0x93: {  	s2 =	sld [smem:$0x3FFC];
	_ =	sdelay $0x3  }
0x94: {  	_ =	strace s2  }
0x95: {  	s2 =	sld [smem:$0x3FFD];
	_ =	sdelay $0x3  }
0x96: {  	_ =	strace s2  }
0x97: {  	_ =	strace $0x8FFFFFFF  }
0x98: {  	s20 =	sld [smem:$0x3FDB];
	_ =	sdelay $0x1  }
0x99: {  	s4 =	simm.s32 $_scs_section_size  }
0x9a: {  	s5 =	simm.s32 $_size__tile_overlayer_lowered;
	s6 =	simm.s32 $_tile_overlayer_lowered  }
0x9b: {  	s7 =	simm.s32 $0x1BFF;
	s21 =	sshll.u32 s6, $0x1;
	s4 =	sadd.s32 s4, s20  }
0x9c: {  	s22 =	simm.s32 $0x0;
	s5 =	sshll.u32 s5, $0x1;
	s6 =	sadd.s32 s21, s4  }
0x9d: {  	[timem:s22], [sflag:s7] =	dma.local [hbm:s6], s5  }
0x9e: {  	_ =	swait.ge [sflag:s7], s5  }
0x9f: {  	s5 =	ssub.s32 $0x0, s5;
	[sflag:s7] =	ssyncset.done $0x0  }
0xa0: {  	[sflag:s7] =	ssyncadd.s32 s5;
	_ =	sdelay $0x1  }
0xa1: {  	s23 =	simm.s32 $0x1B8B  }
0xa2: {  	_ =	swait.ge [sflag:s23], $0x1  }
0xa3: {  	[sflag:s23] =	ssyncset.done $0x0  }
0xa4: {  	[sflag:s23] =	ssyncadd.s32 $0xFFFFFFFF  }
0xa5: {  	s5 =	sld [smem:$0x0]  }
0xa6: {  	s6 =	sand.u32 $0xFFFFFFFE, s1  }
0xa7: {  	p0 =	sne.s32 s1, s6  }
0xa8: {  	s6 =	sshll.u32 @p0 s6, $0xE  }
0xa9: {  	s6 =	sadd.s32 @p0 $0x11B8D, s6;
	s7 =	sshll.u32 @p0 s5, $0x11  }
0xaa: {  	s6 =	sor.u32 @p0 s7, s6  }
0xab: {  	[sflag:s6] =	ssyncadd.remote.s32 @p0 $0x1;
	_ =	sdelay $0x1  }
0xac: {  	s6 =	simm.s32 @p0 $0x1B8D  }
0xad: {  	_ =	swait.eq @p0 [sflag:s6], $0x1  }
0xae: {  	[sflag:s6] =	ssyncadd.s32 @p0 $0xFFFFFFFF  }
0xaf: {  	s7 =	sshll.u32 @!p0 s1, $0xE  }
0xb0: {  	s7 =	sor.u32 @!p0 $0x4000, s7;
	s6 =	simm.s32 @!p0 $0x1B8D  }
0xb1: {  	s5 =	sshll.u32 @!p0 s5, $0x11;
	s7 =	sadd.s32 @!p0 $0x11B8D, s7;
	_ =	swait.eq @!p0 [sflag:s6], $0x1  }
0xb2: {  	s5 =	sor.u32 @!p0 s5, s7;
	[sflag:s6] =	ssyncadd.s32 @!p0 $0xFFFFFFFF  }
0xb3: {  	s25 =	simm.s32 $0x1B8E;
	s24 =	sld [smem:$0x3FFE];
	[sflag:s5] =	ssyncadd.remote.s32 @!p0 $0x1  }
0xb4: {  	s26 =	simm.s32 $execute0_lowered;
	[smem:$0x3FD2] =	sst s25  }
0xb5: {  	s6 =	sshll.u32 s26, $0x1;
	_ =	strace $0x80000049;
	[dreg:$0x1] =	wrdreg $0xFFFFFFFF  }
0xb6: {  	s28 =	simm.s32 $_size_execute0_lowered;
	s4 =	sadd.s32 s4, s6;
	[dreg:$0x0] =	wrdreg $0x0  }
0xb7: {  	s6 =	sshll.u32 s28, $0x1;
	[dreg:$0x2] =	wrdreg s4  }
0xb8: {  	[dreg:$0x3] =	wrdreg s6  }
0xb9: {  	[dreg:$0x4] =	wrdreg $0xC0  }
0xba: {  	_ =	task [dreg:s22], $0x5FFFF  }
0xbb: {  	[dreg:$0x1] =	wrdreg $0xFFFFFFFF  }
0xbc: {  	[dreg:$0x0] =	wrdreg $0x60  }
0xbd: {  	[dreg:$0x2] =	wrdreg s24  }
0xbe: {  	[dreg:$0x3] =	wrdreg s18  }
0xbf: {  	[dreg:$0x4] =	wrdreg $0x9  }
0xc0: {  	_ =	task.clear_ibuf [dreg:s22], $0x5FFFF;
	_ =	strace $0x90000049  }
0xc1: {  	s29 =	simm.s32 $0x9;
	_ =	strace $0x8000004B  }
0xc2: {  	_ =	swait.ge [sflag:s29], $0x1  }
0xc3: {  	[sflag:s29] =	ssyncadd.s32 $0xFFFFFFFF  }
0xc4: {  	_ =	strace $0x9000004B  }
0xc5: {  	_ =	sfence  }
0xc6: {  	s30 =	sld [smem:$0x0];
	_ =	sdelay $0x2  }
0xc7: {  	s31 =	sshll.u32 s1, $0xD;
	s1 =	sshrl.u32 s1, $0x2  }
0xc8: {  	s4 =	sand.u32 $0x4000, s31;
	s1 =	sadd.s32 s1, s30  }
0xc9: {  	s0 =	sor.u32 s4, s0;
	s1 =	sshll.u32 s1, $0x11  }
0xca: {  	s0 =	sor.u32 s1, s0  }
0xcb: {  	s0 =	sadd.s32 $0x8F2B, s0  }
0xcc: {  	[sflag:s0] =	ssyncadd.remote.s32 $0x1  }
0xcd: {  	_ =	sfence.sel $0xFFFF  }
0xce: {  	[dreg:$0x0] =	wrdreg $0xFFFFFFFF;
	(pc) =	sbr.abs _section_cstart, $3  }
0xcf: {  	[dreg:$0x1] =	wrdreg $0xFFFFFFFF  }
0xd0: {  	_ =	task.clear_ibuf [dreg:s22], $0x2FFFF;
	_ =	strace $0x9FFFFFFF  }
0xd1: {  	(tm) =	ssettm $0x7FFFFFFF  }
tec
execute0_lowered:
.L_overlay_start_1:
0x0: {  	(tag) =	ssettag $0x1  }
0x1: {  	s5 =	rddreg [dreg:$0x0]  }
0x2: {  	s9 =	rddreg [dreg:$0x1]  }
0x3: {  	s0 =	rddreg [dreg:$0x2]  }
0x4: {  	s2 =	simm.s32 $0x0;
	s4 =	srdreg.scid;
	s1 =	stileid.u32  }
0x5: {  	[smem:$0x7FF] =	sst s2;
	s3 =	sadd.s32 $0x24600, s5;
	s8 =	sand.u32 $0x1, s4  }
0x6: {  	s6 =	sshll.u32 s1, $0x1;
	s4 =	simm.s32 $0x1;
	_ =	strace $0x8000004A  }
0x7: {  	[tilespmem:s2], [sflag:$0x1] =	stream.linear.gather [hbm4b:s3+s2], $0x800, $0x38;
	[tilespmem:$0x1000] =	vst v63  }
0x8: {  	s10 =	sor.u32 s8, s6;
	_ =	swait.ge [sflag:s4], $0x800  }
0x9: {  	s11 =	sadd.s32 $0x400, s5;
	s29 =	sshll.u32 s10, $0xC;
	[sflag:s4] =	ssyncset.done $0x0  }
0xa: {  	s6 =	simm.s32 $0x800;
	s5 =	sadd.s32 s11, s29;
	[sflag:s4] =	ssyncadd.s32 $0xFFFFF800  }
0xb: {  	[tilespmem:s6], [sflag:$0x1] =	stream.indirect.gather [hbm4b:s5+s6], $0x1, s2, s6, $0xb8;
	[tilespmem:$0x1000] =	vst v63  }
0xc: {  	_ =	swait.ge [sflag:s4], $0x800  }
0xd: {  	s13 =	ssub.s32 $0x2, s8;
	s7 =	sshll.u32 s10, $0x9;
	[sflag:s4] =	ssyncset.done $0x0  }
0xe: {  	s10 =	sshllo.u32 s10, $0x1;
	s7 =	sadd.s32 s9, s7;
	[sflag:s4] =	ssyncadd.s32 $0xFFFFF800  }
0xf: {  	[hbm4b:s7+s2] =	stream.linear.scatter [tilespmem:s6], [sflag:$0x1], $0x800, $0x38;
	[tilespmem:$0x1000] =	vst v63  }
0x10: {  	s30 =	sshrl.u32 s13, $0x1;
	s12 =	sshll.u32 s10, $0xB;
	_ =	swait.ge [sflag:s4], $0x800  }
0x11: {  	s8 =	sadd.s32 s11, s12;
	s11 =	ssub.s32 s13, s30;
	[sflag:s4] =	ssyncset.done $0x0  }
0x12: {  	s31 =	smax.u32 s11, $0x1;
	[sflag:s4] =	ssyncadd.s32 $0xFFFFF800  }
0x13: {  	[tilespmem:s6], [sflag:$0x1] =	stream.indirect.gather [hbm4b:s8+s6], $0x1, s2, s6, $0xb8;
	[tilespmem:$0x1000] =	vst v63  }
0x14: {  	p0 =	sne.s32 s31, $0x1;
	_ =	swait.ge [sflag:s4], $0x800  }
.Ltmp0:
0x15: {  	s10 =	sshll.u32 s10, $0x8;
	[sflag:s4] =	ssyncset.done $0x0;
	(pc) =	sbr.rel @!p0 .LBB2_2-.Ltmp0, $4  }
0x16: {  	s9 =	sadd.s32 s9, s10;
	[sflag:s4] =	ssyncadd.s32 $0xFFFFF800  }
0x17: {  	[hbm4b:s9+s2] =	stream.linear.scatter [tilespmem:s6], [sflag:$0x1], $0x800, $0x38;
	[tilespmem:$0x1000] =	vst v63  }
0x18: {  	_ =	swait.ge [sflag:s4], $0x800  }
0x19: {  	s10 =	sadd.s32 $0xFFFFFFFF, s31;
	[sflag:s4] =	ssyncset.done $0x0  }
.LBB2_1:
0x1a: {  	p0 =	sne.s32 s10, $0x1;
	s10 =	sadd.s32 $0xFFFFFFFF, s10;
	[sflag:s4] =	ssyncadd.s32 $0xFFFFF800  }
0x1b: {  	[tilespmem:s2], [sflag:$0x1] =	stream.linear.gather [hbm4b:s3+s2], $0x800, $0x38;
	[tilespmem:$0x1000] =	vst v63  }
0x1c: {  	_ =	swait.ge [sflag:s4], $0x800  }
0x1d: {  	[sflag:s4] =	ssyncset.done $0x0  }
0x1e: {  	[sflag:s4] =	ssyncadd.s32 $0xFFFFF800  }
0x1f: {  	[tilespmem:s6], [sflag:$0x1] =	stream.indirect.gather [hbm4b:s5+s6], $0x1, s2, s6, $0xb8;
	[tilespmem:$0x1000] =	vst v63  }
0x20: {  	_ =	swait.ge [sflag:s4], $0x800  }
0x21: {  	[sflag:s4] =	ssyncset.done $0x0  }
0x22: {  	[sflag:s4] =	ssyncadd.s32 $0xFFFFF800  }
0x23: {  	[hbm4b:s7+s2] =	stream.linear.scatter [tilespmem:s6], [sflag:$0x1], $0x800, $0x38;
	[tilespmem:$0x1000] =	vst v63  }
0x24: {  	_ =	swait.ge [sflag:s4], $0x800  }
0x25: {  	[sflag:s4] =	ssyncset.done $0x0  }
0x26: {  	[sflag:s4] =	ssyncadd.s32 $0xFFFFF800  }
0x27: {  	[tilespmem:s6], [sflag:$0x1] =	stream.indirect.gather [hbm4b:s8+s6], $0x1, s2, s6, $0xb8;
	[tilespmem:$0x1000] =	vst v63  }
0x28: {  	_ =	swait.ge [sflag:s4], $0x800  }
.Ltmp1:
0x29: {  	[sflag:s4] =	ssyncset.done $0x0;
	(pc) =	sbr.rel @p0 .LBB2_1-.Ltmp1, $4  }
0x2a: {  	[sflag:s4] =	ssyncadd.s32 $0xFFFFF800  }
0x2b: {  	[hbm4b:s9+s2] =	stream.linear.scatter [tilespmem:s6], [sflag:$0x1], $0x800, $0x38;
	[tilespmem:$0x1000] =	vst v63  }
0x2c: {  	_ =	swait.ge [sflag:s4], $0x800  }
0x2d: {  	[sflag:s4] =	ssyncset.done $0x0  }
.LBB2_2:
0x2e: {  	[sflag:s4] =	ssyncadd.s32 $0xFFFFF800  }
0x2f: {  	_ =	sfence.sel $0x180000  }
0x30: {  	[bflag:$0x0] =	sbarrier.arrive $0xFFFF  }
0x31: {  	p0 =	sne.s32 s1, $0x0;
	_ =	strace $0x9000004A  }
0x32: {  	s0 =	sadd.s32 @!p0 $0x100000, s0;
	[bflag:$0x2] =	sbarrier.arrive $0xFFFF  }
0x33: {  	[sflag:s0] =	ssyncadd.tile.s32 @!p0 $0x1;
	_ =	shalt  }
.Lfunc_end2:
_tile_overlayer_lowered:
.L_overlay_start_2:
0x34: {  	(tag) =	ssettag $0x2  }
0x35: {  	s0 =	rddreg [dreg:$0x0];
	s2 =	stileid.u32  }
0x36: {  	s1 =	rddreg [dreg:$0x1];
	p0 =	sne.s32 s2, $0x0  }
0x37: {  	s3 =	rddreg [dreg:$0x2];
	[bflag:$0x3] =	sbarrier.arrive $0xFFFF;
	s2 =	simm.s32 @!p0 $0x1C01  }
0x38: {  	[timem:s3], [sflag:s2] =	dma.local @!p0 [hbm:s0], s1  }
0x39: {  	s0 =	simm.s32 @!p0 $0x1  }
0x3a: {  	_ =	swait.ge @!p0 [sflag:s0], s1  }
0x3b: {  	s1 =	ssub.s32 @!p0 $0x0, s1;
	[sflag:s0] =	ssyncset.done @!p0 $0x0  }
0x3c: {  	[sflag:s0] =	ssyncadd.s32 @!p0 s1  }
0x3d: {  	[bflag:$0x3] =	sbarrier.arrive $0xFFFF  }
0x3e: {  	_ =	shalt  }

// kernel: kernel.9.cloned.1.call-start
scs
__scs_entry_jumppad:
0x0: {  	(pc) =	sbr.rel $0x88, $3  }
0x1: {  	(tag) =	ssettag $0x0;
	lr =	simm.s32 $0x1  }
0x2: {  	[smem:$0x3F9E] =	sst lr;
	_ =	strace $0xD0000000  }
0x3: {  	_ = 	snop  }
0x4: {  	_ = 	snop  }
0x5: {  	_ = 	snop  }
0x6: {  	_ = 	snop  }
0x7: {  	_ = 	snop  }
__scs_overlays_trampoline_lowered:
0x8: {  	[smem:$0x3FAD] =	sst s0  }
0x9: {  	[smem:$0x3FAE] =	sst s1  }
0xa: {  	[smem:$0x3FAF] =	sst s2  }
0xb: {  	[smem:$0x3FB0] =	sst s3  }
0xc: {  	[smem:$0x3FB1] =	sst s4  }
0xd: {  	[smem:$0x3FB2] =	sst s5  }
0xe: {  	[smem:$0x3FB3] =	sst s6  }
0xf: {  	[smem:$0x3FB4] =	sst s7  }
0x10: {  	[smem:$0x3FB5] =	sst s8  }
0x11: {  	[smem:$0x3FB6] =	sst s9;
	s0 =	simm.s32 @!p0 $0x0  }
0x12: {  	s1 =	sld [smem:$0x3F9C];
	s0 =	simm.s32 @p0 $0x1  }
0x13: {  	[smem:$0x3FB7] =	sst s0;
	s0 =	simm.s32 @!p1 $0x0  }
0x14: {  	s2 =	sld [smem:$0x3F9B];
	s0 =	simm.s32 @p1 $0x1  }
0x15: {  	[smem:$0x3FB8] =	sst s0;
	s0 =	simm.s32 @!p2 $0x0  }
0x16: {  	s3 =	sld [smem:$0x3FDB];
	s0 =	simm.s32 @p2 $0x1  }
0x17: {  	s4 =	simm.s32 $0x1BF5;
	[smem:$0x3FBA] =	sst s0  }
0x18: {  	s0 =	sld [smem:$0x3F9D];
	_ =	swait.ge [sflag:s4], $0x0  }
0x19: {  	s7 =	sld [smem:$0x3F9E]  }
0x1a: {  	s8 =	sadd.s32 $0xFFFFE003, lr  }
0x1b: {  	s9 =	sadd.s32 $0xFFFFFEF7, lr;
	s5 =	simm.s32 $0xFFFFFFFF;
	p2 =	slt.u32 s8, $0xFFFFF086  }
0x1c: {  	p1 =	slt.u32 s9, $0xF7A;
	s5 =	simm.s32 @!p2 $0x0  }
0x1d: {  	s5 =	simm.s32 @p1 $0x1;
	p0 =	seq.s32 s7, s2  }
0x1e: {  	s7 =	smul.u32 @!p0 $0xF7A, s2;
	p2 =	seq.s32 @!p0 s5, $0x0  }
0x1f: {  	s9 =	smul.u32 $0xF7A, s1;
	s8 =	simm.s32 @!p0 $0x1BF5;
	p2 =	por !p2, p0  }
0x20: {  	[sflag:s8] =	ssyncset.s32 @!p0 $0xFFFFF086;
	s6 =	sadd.s32 @!p0 s3, s7;
	s7 =	simm.s32 @!p0 $0x108  }
0x21: {  	s3 =	sadd.s32 s3, s9;
	s6 =	sadd.s32 @!p0 $0x88, s6;
	s7 =	simm.s32 @p2 $0x1082  }
0x22: {  	[simem:s7], [sflag:s8] =	dma.local @!p0 [hbm:s6], $0xF7A  }
0x23: {  	s9 =	sor.u32 $0xD0000000, s2;
	s6 =	simm.s32 $0x108;
	_ =	swait.ge @!p0 [sflag:s8], $0x0  }
0x24: {  	s3 =	sadd.s32 $0x88, s3;
	s6 =	simm.s32 @!p1 $0x1082;
	[sflag:s4] =	ssyncset.s32 $0xFFFFF086  }
0x25: {  	[simem:s6], [sflag:s4] =	dma.local [hbm:s3], $0xF7A  }
0x26: {  	[smem:$0x3F9E] =	sst s1;
	(tag) =	ssettag s2;
	_ =	strace s9  }
0x27: {  	s1 =	sld [smem:$0x3FAE]  }
0x28: {  	s2 =	sld [smem:$0x3FAF]  }
0x29: {  	s4 =	sld [smem:$0x3FB1]  }
0x2a: {  	p0 =	seq.s32 s5, $0x0;
	s5 =	sld [smem:$0x3FB2]  }
0x2b: {  	s6 =	sld [smem:$0x3FB3]  }
0x2c: {  	s7 =	sld [smem:$0x3FB4]  }
0x2d: {  	s3 =	simm.s32 $0x108;
	s8 =	sld [smem:$0x3FB5]  }
0x2e: {  	s3 =	simm.s32 @!p0 $0x1082;
	s9 =	sld [smem:$0x3FB6]  }
0x2f: {  	lr =	sadd.s32 s0, s3;
	s0 =	sld [smem:$0x3FAD]  }
0x30: {  	s3 =	sld [smem:$0x3FB0]  }
0x31: {  	[smem:$0x3FB9] =	sst s10  }
0x32: {  	s10 =	sld [smem:$0x3FB7];
	_ =	sdelay $0x3  }
0x33: {  	p0 =	seq.s32 s10, $0x1;
	s10 =	sld [smem:$0x3FB9];
	_ =	sdelay $0x3  }
0x34: {  	[smem:$0x3FB9] =	sst s10  }
0x35: {  	s10 =	sld [smem:$0x3FB8];
	_ =	sdelay $0x3  }
0x36: {  	p1 =	seq.s32 s10, $0x1;
	s10 =	sld [smem:$0x3FB9];
	_ =	sdelay $0x3  }
0x37: {  	[smem:$0x3FB9] =	sst s10  }
0x38: {  	s10 =	sld [smem:$0x3FBA]  }
0x39: {  	_ = 	snop;
	(pc) =	sbr.ind lr, $3  }
0x3a: {  	_ = 	snop  }
0x3b: {  	_ = 	snop  }
0x3c: {  	p2 =	seq.s32 s10, $0x1;
	s10 =	sld [smem:$0x3FB9]  }
0x3d: {  	_ =	shalt  }
0x3e: {  	_ =	shalt  }
0x3f: {  	_ =	shalt  }
0x40: {  	_ =	shalt  }
0x41: {  	_ =	shalt  }
0x42: {  	_ =	shalt  }
0x43: {  	_ =	shalt  }
0x44: {  	_ =	shalt  }
0x45: {  	_ =	shalt  }
0x46: {  	_ =	shalt  }
0x47: {  	_ =	shalt  }
0x48: {  	_ =	shalt  }
0x49: {  	_ =	shalt  }
0x4a: {  	_ =	shalt  }
0x4b: {  	_ =	shalt  }
0x4c: {  	_ =	shalt  }
0x4d: {  	_ =	shalt  }
0x4e: {  	_ =	shalt  }
0x4f: {  	_ =	shalt  }
0x50: {  	_ =	shalt  }
0x51: {  	_ =	shalt  }
0x52: {  	_ =	shalt  }
0x53: {  	_ =	shalt  }
0x54: {  	_ =	shalt  }
0x55: {  	_ =	shalt  }
0x56: {  	_ =	shalt  }
0x57: {  	_ =	shalt  }
0x58: {  	_ =	shalt  }
0x59: {  	_ =	shalt  }
0x5a: {  	_ =	shalt  }
0x5b: {  	_ =	shalt  }
0x5c: {  	_ =	shalt  }
0x5d: {  	_ =	shalt  }
0x5e: {  	_ =	shalt  }
0x5f: {  	_ =	shalt  }
0x60: {  	_ =	shalt  }
0x61: {  	_ =	shalt  }
0x62: {  	_ =	shalt  }
0x63: {  	_ =	shalt  }
0x64: {  	_ =	shalt  }
0x65: {  	_ =	shalt  }
0x66: {  	_ =	shalt  }
0x67: {  	_ =	shalt  }
0x68: {  	_ =	shalt  }
0x69: {  	_ =	shalt  }
0x6a: {  	_ =	shalt  }
0x6b: {  	_ =	shalt  }
0x6c: {  	_ =	shalt  }
0x6d: {  	_ =	shalt  }
0x6e: {  	_ =	shalt  }
0x6f: {  	_ =	shalt  }
0x70: {  	_ =	shalt  }
0x71: {  	_ =	shalt  }
0x72: {  	_ =	shalt  }
0x73: {  	_ =	shalt  }
0x74: {  	_ =	shalt  }
0x75: {  	_ =	shalt  }
0x76: {  	_ =	shalt  }
0x77: {  	_ =	shalt  }
0x78: {  	_ =	shalt  }
0x79: {  	_ =	shalt  }
0x7a: {  	_ =	shalt  }
0x7b: {  	_ =	shalt  }
0x7c: {  	_ =	shalt  }
0x7d: {  	_ =	shalt  }
0x7e: {  	_ =	shalt  }
0x7f: {  	_ =	shalt  }
0x80: {  	_ =	shalt  }
0x81: {  	_ =	shalt  }
0x82: {  	_ =	shalt  }
0x83: {  	_ =	shalt  }
0x84: {  	_ =	shalt  }
0x85: {  	_ =	shalt  }
0x86: {  	_ =	shalt  }
0x87: {  	_ =	shalt  }
.Lfunc_end0:
.L_simem_size_0:
called_computation.1_lowered:
.L_overlay_start_0:
0x88: {  	s2 =	sld [smem:$0x3FD9]  }
0x89: {  	s3 =	sld [smem:$0x3FFE];
	_ =	sdelay $0x1  }
0x8a: {  	s1 =	srdreg.scid  }
0x8b: {  	s0 =	sand.u32 $0x1, s1  }
0x8c: {  	s16 =	sshll.u32 s0, $0xA;
	s2 =	sadd.s32 s3, s2  }
0x8d: {  	s2 =	sadd.s32 s2, s16  }
0x8e: {  	[smem:$0x3FC5] =	sst s2  }
0x8f: {  	_ = 	snop  }
0x90: {  	(tm) =	ssettm $0x1  }
0x91: {  	s17 =	sld [smem:$0x3FFB];
	_ =	sdelay $0x3  }
0x92: {  	_ =	strace s17  }
0x93: {  	s2 =	sld [smem:$0x3FFC];
	_ =	sdelay $0x3  }
0x94: {  	_ =	strace s2  }
0x95: {  	s2 =	sld [smem:$0x3FFD];
	_ =	sdelay $0x3  }
0x96: {  	_ =	strace s2  }
0x97: {  	_ =	strace $0x8FFFFFFF  }
0x98: {  	s18 =	sld [smem:$0x3FDB];
	_ =	sdelay $0x1  }
0x99: {  	s19 =	simm.s32 $_scs_section_size  }
0x9a: {  	s4 =	simm.s32 $_size__tile_overlayer_lowered;
	s5 =	simm.s32 $_tile_overlayer_lowered  }
0x9b: {  	s22 =	simm.s32 $0x1BFF;
	s21 =	sshll.u32 s5, $0x1;
	s2 =	sadd.s32 s19, s18  }
0x9c: {  	s6 =	simm.s32 $0x0;
	s20 =	sshll.u32 s4, $0x1;
	s4 =	sadd.s32 s21, s2  }
0x9d: {  	[timem:s6], [sflag:s22] =	dma.local [hbm:s4], s20  }
0x9e: {  	_ =	swait.ge [sflag:s22], s20  }
0x9f: {  	s3 =	ssub.s32 $0x0, s20;
	[sflag:s22] =	ssyncset.done $0x0  }
0xa0: {  	[sflag:s22] =	ssyncadd.s32 s3;
	_ =	sdelay $0x1  }
0xa1: {  	s23 =	simm.s32 $0x1B8B  }
0xa2: {  	_ =	swait.ge [sflag:s23], $0x1  }
0xa3: {  	[sflag:s23] =	ssyncset.done $0x0  }
0xa4: {  	s25 =	simm.s32 $0x1B8E;
	s24 =	sld [smem:$0x3FFE];
	[sflag:s23] =	ssyncadd.s32 $0xFFFFFFFF  }
0xa5: {  	s26 =	simm.s32 $execute0_lowered;
	[smem:$0x3FD2] =	sst s25  }
0xa6: {  	s4 =	sshll.u32 s26, $0x1;
	_ =	strace $0x80000046;
	[dreg:$0x1] =	wrdreg $0xFFFFFFFF  }
0xa7: {  	s28 =	simm.s32 $_size_execute0_lowered;
	s2 =	sadd.s32 s2, s4;
	[dreg:$0x0] =	wrdreg $0x0  }
0xa8: {  	s4 =	sshll.u32 s28, $0x1;
	[dreg:$0x2] =	wrdreg s2  }
0xa9: {  	[dreg:$0x3] =	wrdreg s4  }
0xaa: {  	[dreg:$0x4] =	wrdreg $0xC0  }
0xab: {  	_ =	task [dreg:s6], $0x5FFFF  }
0xac: {  	[dreg:$0x1] =	wrdreg $0xFFFFFFFF  }
0xad: {  	[dreg:$0x0] =	wrdreg $0x60  }
0xae: {  	[dreg:$0x2] =	wrdreg s24  }
0xaf: {  	[dreg:$0x3] =	wrdreg $0xA  }
0xb0: {  	_ =	task.clear_ibuf [dreg:s6], $0x4FFFF;
	_ =	strace $0x90000046  }
0xb1: {  	s29 =	simm.s32 $0xA;
	_ =	strace $0x80000048  }
0xb2: {  	_ =	swait.ge [sflag:s29], $0x1  }
0xb3: {  	[sflag:s29] =	ssyncadd.s32 $0xFFFFFFFF  }
0xb4: {  	_ =	strace $0x90000048  }
0xb5: {  	_ =	sfence  }
0xb6: {  	s30 =	sld [smem:$0x0];
	_ =	sdelay $0x2  }
0xb7: {  	s31 =	sshll.u32 s1, $0xD;
	s1 =	sshrl.u32 s1, $0x2  }
0xb8: {  	s3 =	sand.u32 $0x4000, s31;
	s1 =	sadd.s32 s1, s30  }
0xb9: {  	s0 =	sor.u32 s3, s0;
	s1 =	sshll.u32 s1, $0x11  }
0xba: {  	s0 =	sor.u32 s1, s0  }
0xbb: {  	s0 =	sadd.s32 $0x8F2B, s0  }
0xbc: {  	[sflag:s0] =	ssyncadd.remote.s32 $0x1  }
0xbd: {  	_ =	sfence.sel $0xFFFF  }
0xbe: {  	[dreg:$0x0] =	wrdreg $0xFFFFFFFF;
	(pc) =	sbr.abs _section_cstart, $3  }
0xbf: {  	[dreg:$0x1] =	wrdreg $0xFFFFFFFF  }
0xc0: {  	_ =	task.clear_ibuf [dreg:s6], $0x2FFFF;
	_ =	strace $0x9FFFFFFF  }
0xc1: {  	(tm) =	ssettm $0x7FFFFFFF  }
tec
execute0_lowered:
.L_overlay_start_1:
0x0: {  	(tag) =	ssettag $0x1  }
0x1: {  	s7 =	rddreg [dreg:$0x0]  }
0x2: {  	s0 =	rddreg [dreg:$0x1]  }
0x3: {  	s2 =	simm.s32 $0x0;
	s4 =	srdreg.scid;
	s1 =	stileid.u32  }
0x4: {  	[smem:$0x7FF] =	sst s2;
	s3 =	sadd.s32 $0x20400, s7;
	s8 =	sand.u32 $0x1, s4  }
0x5: {  	s5 =	sshll.u32 s1, $0x1;
	s4 =	simm.s32 $0x1;
	_ =	strace $0x80000047  }
0x6: {  	[tilespmem:s2], [sflag:$0x1] =	stream.linear.gather [hbm4b:s3+s2], $0x800, $0x38;
	[tilespmem:$0x1000] =	vst v63  }
0x7: {  	s9 =	sor.u32 s8, s5;
	_ =	swait.ge [sflag:s4], $0x800  }
0x8: {  	s10 =	sadd.s32 $0x400, s7;
	s5 =	sshll.u32 s9, $0xC;
	[sflag:s4] =	ssyncset.done $0x0  }
0x9: {  	s6 =	simm.s32 $0x800;
	s5 =	sadd.s32 s10, s5;
	[sflag:s4] =	ssyncadd.s32 $0xFFFFF800  }
0xa: {  	[tilespmem:s6], [sflag:$0x1] =	stream.indirect.gather [hbm4b:s5+s6], $0x1, s2, s6, $0xb8;
	[tilespmem:$0x1000] =	vst v63  }
0xb: {  	s11 =	sadd.s32 $0x20600, s7;
	_ =	swait.ge [sflag:s4], $0x800  }
0xc: {  	s13 =	ssub.s32 $0x2, s8;
	s30 =	sshll.u32 s9, $0x9;
	[sflag:s4] =	ssyncset.done $0x0  }
0xd: {  	s9 =	sshllo.u32 s9, $0x1;
	s7 =	sadd.s32 s11, s30;
	[sflag:s4] =	ssyncadd.s32 $0xFFFFF800  }
0xe: {  	[hbm4b:s7+s2] =	stream.linear.scatter [tilespmem:s6], [sflag:$0x1], $0x800, $0x38;
	[tilespmem:$0x1000] =	vst v63  }
0xf: {  	s31 =	sshrl.u32 s13, $0x1;
	s12 =	sshll.u32 s9, $0xB;
	_ =	swait.ge [sflag:s4], $0x800  }
0x10: {  	s8 =	sadd.s32 s10, s12;
	s10 =	ssub.s32 s13, s31;
	[sflag:s4] =	ssyncset.done $0x0  }
0x11: {  	s10 =	smax.u32 s10, $0x1;
	[sflag:s4] =	ssyncadd.s32 $0xFFFFF800  }
0x12: {  	[tilespmem:s6], [sflag:$0x1] =	stream.indirect.gather [hbm4b:s8+s6], $0x1, s2, s6, $0xb8;
	[tilespmem:$0x1000] =	vst v63  }
0x13: {  	p0 =	sne.s32 s10, $0x1;
	_ =	swait.ge [sflag:s4], $0x800  }
.Ltmp0:
0x14: {  	s9 =	sshll.u32 s9, $0x8;
	[sflag:s4] =	ssyncset.done $0x0;
	(pc) =	sbr.rel @!p0 .LBB2_2-.Ltmp0, $4  }
0x15: {  	s9 =	sadd.s32 s11, s9;
	[sflag:s4] =	ssyncadd.s32 $0xFFFFF800  }
0x16: {  	[hbm4b:s9+s2] =	stream.linear.scatter [tilespmem:s6], [sflag:$0x1], $0x800, $0x38;
	[tilespmem:$0x1000] =	vst v63  }
0x17: {  	_ =	swait.ge [sflag:s4], $0x800  }
0x18: {  	s10 =	sadd.s32 $0xFFFFFFFF, s10;
	[sflag:s4] =	ssyncset.done $0x0  }
.LBB2_1:
0x19: {  	p0 =	sne.s32 s10, $0x1;
	s10 =	sadd.s32 $0xFFFFFFFF, s10;
	[sflag:s4] =	ssyncadd.s32 $0xFFFFF800  }
0x1a: {  	[tilespmem:s2], [sflag:$0x1] =	stream.linear.gather [hbm4b:s3+s2], $0x800, $0x38;
	[tilespmem:$0x1000] =	vst v63  }
0x1b: {  	_ =	swait.ge [sflag:s4], $0x800  }
0x1c: {  	[sflag:s4] =	ssyncset.done $0x0  }
0x1d: {  	[sflag:s4] =	ssyncadd.s32 $0xFFFFF800  }
0x1e: {  	[tilespmem:s6], [sflag:$0x1] =	stream.indirect.gather [hbm4b:s5+s6], $0x1, s2, s6, $0xb8;
	[tilespmem:$0x1000] =	vst v63  }
0x1f: {  	_ =	swait.ge [sflag:s4], $0x800  }
0x20: {  	[sflag:s4] =	ssyncset.done $0x0  }
0x21: {  	[sflag:s4] =	ssyncadd.s32 $0xFFFFF800  }
0x22: {  	[hbm4b:s7+s2] =	stream.linear.scatter [tilespmem:s6], [sflag:$0x1], $0x800, $0x38;
	[tilespmem:$0x1000] =	vst v63  }
0x23: {  	_ =	swait.ge [sflag:s4], $0x800  }
0x24: {  	[sflag:s4] =	ssyncset.done $0x0  }
0x25: {  	[sflag:s4] =	ssyncadd.s32 $0xFFFFF800  }
0x26: {  	[tilespmem:s6], [sflag:$0x1] =	stream.indirect.gather [hbm4b:s8+s6], $0x1, s2, s6, $0xb8;
	[tilespmem:$0x1000] =	vst v63  }
0x27: {  	_ =	swait.ge [sflag:s4], $0x800  }
.Ltmp1:
0x28: {  	[sflag:s4] =	ssyncset.done $0x0;
	(pc) =	sbr.rel @p0 .LBB2_1-.Ltmp1, $4  }
0x29: {  	[sflag:s4] =	ssyncadd.s32 $0xFFFFF800  }
0x2a: {  	[hbm4b:s9+s2] =	stream.linear.scatter [tilespmem:s6], [sflag:$0x1], $0x800, $0x38;
	[tilespmem:$0x1000] =	vst v63  }
0x2b: {  	_ =	swait.ge [sflag:s4], $0x800  }
0x2c: {  	[sflag:s4] =	ssyncset.done $0x0  }
.LBB2_2:
0x2d: {  	[sflag:s4] =	ssyncadd.s32 $0xFFFFF800  }
0x2e: {  	_ =	sfence.sel $0x180000  }
0x2f: {  	[bflag:$0x0] =	sbarrier.arrive $0xFFFF  }
0x30: {  	p0 =	sne.s32 s1, $0x0;
	_ =	strace $0x90000047  }
0x31: {  	s0 =	sadd.s32 @!p0 $0x100000, s0;
	[bflag:$0x2] =	sbarrier.arrive $0xFFFF  }
0x32: {  	[sflag:s0] =	ssyncadd.tile.s32 @!p0 $0x1;
	_ =	shalt  }
.Lfunc_end2:
_tile_overlayer_lowered:
.L_overlay_start_2:
0x33: {  	(tag) =	ssettag $0x2  }
0x34: {  	s0 =	rddreg [dreg:$0x0];
	s2 =	stileid.u32  }
0x35: {  	s1 =	rddreg [dreg:$0x1];
	p0 =	sne.s32 s2, $0x0  }
0x36: {  	s3 =	rddreg [dreg:$0x2];
	[bflag:$0x3] =	sbarrier.arrive $0xFFFF;
	s2 =	simm.s32 @!p0 $0x1C01  }
0x37: {  	[timem:s3], [sflag:s2] =	dma.local @!p0 [hbm:s0], s1  }
0x38: {  	s0 =	simm.s32 @!p0 $0x1  }
0x39: {  	_ =	swait.ge @!p0 [sflag:s0], s1  }
0x3a: {  	s1 =	ssub.s32 @!p0 $0x0, s1;
	[sflag:s0] =	ssyncset.done @!p0 $0x0  }
0x3b: {  	[sflag:s0] =	ssyncadd.s32 @!p0 s1  }
0x3c: {  	[bflag:$0x3] =	sbarrier.arrive $0xFFFF  }
0x3d: {  	_ =	shalt  }

</sc_bundles>
